<compile_context>
chip_gen: v7x
topology: tpu7x:2x2x1
jax: 0.10.2.dev20260603
libtpu: 0.0.44.dev20260713+nightly
codegen_flags: <defaults>
</compile_context>

<pallas_src>
import functools

import jax
import jax.numpy as jnp
from jax import lax
from jax.experimental import pallas as pl
from jax.experimental.pallas import tpu as pltpu
from jax.experimental.pallas import tpu_sc as plsc

N = 10000
E = 320000
D = 128
H = 32
C = 3

NW = 32
CK = 128
CH = 80
EP = NW * CH * CK
NP = 10240
SL = NP // 16



@functools.lru_cache(maxsize=1)
def _sc_kernels():
  mesh = plsc.VectorSubcoreMesh(core_axis_name="c", subcore_axis_name="s")

  @functools.partial(
      pl.kernel,
      mesh=mesh,
      out_type=jax.ShapeDtypeStruct((2, NP), jnp.float32),
      scratch_types=[
          pltpu.VMEM((CH, CK), jnp.int32),
          pltpu.VMEM((CK,), jnp.float32),
          pltpu.VMEM_SHARED((NP,), jnp.float32),
      ],
  )
  def sc_deg(dst_hbm, zeros1_hbm, out_hbm, idx_v, ones_v, acc_sh):
    c = lax.axis_index("c")
    s = lax.axis_index("s")
    wid = s * 2 + c
    pltpu.sync_copy(zeros1_hbm.at[pl.ds(s * SL, SL)], acc_sh.at[pl.ds(s * SL, SL)])
    for k in range(CK // 16):
      ones_v[pl.ds(k * 16, 16)] = jnp.ones((16,), jnp.float32)
    pltpu.sync_copy(dst_hbm.at[wid], idx_v)
    plsc.subcore_barrier()

    def body(j, carry):
      pltpu.sync_copy(ones_v, acc_sh.at[idx_v.at[j]], add=True)
      return carry

    lax.fori_loop(0, CH, body, 0)
    plsc.subcore_barrier()
    pltpu.sync_copy(acc_sh.at[pl.ds(s * SL, SL)], out_hbm.at[c, pl.ds(s * SL, SL)])

  @functools.partial(
      pl.kernel,
      mesh=mesh,
      out_type=jax.ShapeDtypeStruct((2, NP), jnp.float32),
      scratch_types=[
          pltpu.VMEM((CH, CK), jnp.int32),
          pltpu.VMEM((CH, CK), jnp.int32),
          pltpu.VMEM((CK,), jnp.float32),
          pltpu.VMEM_SHARED((NP,), jnp.float32),
          pltpu.VMEM_SHARED((NP,), jnp.float32),
          pltpu.SemaphoreType.DMA,
      ],
  )
  def sc_u(dinv_hbm, src_hbm, dst_hbm, zeros1_hbm, out_hbm,
           sidx_v, didx_v, vals_v, acc_sh, dinv_sh, sem):
    c = lax.axis_index("c")
    s = lax.axis_index("s")
    wid = s * 2 + c
    pltpu.sync_copy(zeros1_hbm.at[pl.ds(s * SL, SL)], acc_sh.at[pl.ds(s * SL, SL)])
    pltpu.sync_copy(dinv_hbm.at[pl.ds(s * SL, SL)], dinv_sh.at[pl.ds(s * SL, SL)])
    pltpu.sync_copy(src_hbm.at[wid], sidx_v)
    pltpu.sync_copy(dst_hbm.at[wid], didx_v)
    plsc.subcore_barrier()

    def body(j, carry):
      pltpu.sync_copy(dinv_sh.at[didx_v.at[j]], vals_v)
      pltpu.sync_copy(vals_v, acc_sh.at[sidx_v.at[j]], add=True)
      return carry

    lax.fori_loop(0, CH, body, 0)
    plsc.subcore_barrier()
    pltpu.sync_copy(acc_sh.at[pl.ds(s * SL, SL)], out_hbm.at[c, pl.ds(s * SL, SL)])

  NB = 16
  BI = CH * H // NB
  SLF = NP * H // 16

  @functools.partial(
      pl.kernel,
      mesh=mesh,
      out_type=jax.ShapeDtypeStruct((2, NP * H), jnp.float32),
      scratch_types=[
          pltpu.VMEM((BI, CK), jnp.int32),
          pltpu.VMEM((BI, CK), jnp.int32),
          pltpu.VMEM((CK,), jnp.float32),
          pltpu.VMEM_SHARED((NP * H,), jnp.float32),
          pltpu.VMEM_SHARED((NP * H,), jnp.float32),
      ],
  )
  def sc_agg_el(yf_hbm, srcx_hbm, dstx_hbm, zerosf_hbm, out_hbm,
                sidx_v, didx_v, vals_v, acc_sh, y_sh):
    c = lax.axis_index("c")
    s = lax.axis_index("s")
    wid = s * 2 + c
    pltpu.sync_copy(zerosf_hbm.at[pl.ds(s * SLF, SLF)], acc_sh.at[pl.ds(s * SLF, SLF)])
    pltpu.sync_copy(yf_hbm.at[pl.ds(s * SLF, SLF)], y_sh.at[pl.ds(s * SLF, SLF)])
    plsc.subcore_barrier()

    def outer(ob, carry):
      pltpu.sync_copy(srcx_hbm.at[wid * NB + ob], sidx_v)
      pltpu.sync_copy(dstx_hbm.at[wid * NB + ob], didx_v)

      def body(j, cc):
        pltpu.sync_copy(y_sh.at[sidx_v.at[j]], vals_v)
        pltpu.sync_copy(vals_v, acc_sh.at[didx_v.at[j]], add=True)
        return cc

      lax.fori_loop(0, BI, body, 0)
      return carry

    lax.fori_loop(0, NB, outer, 0)
    plsc.subcore_barrier()
    pltpu.sync_copy(acc_sh.at[pl.ds(s * SLF, SLF)], out_hbm.at[c, pl.ds(s * SLF, SLF)])

  def sc_agg(yf, srcx, dstx, zerosf):
    return sc_agg_el(yf, srcx, dstx, zerosf)

  return sc_deg, sc_u, sc_agg



def _dense1_body(d0_ref, d1_ref, x_ref, w_ref, dinv_ref, y_ref):
    i = pl.program_id(0)
    deg = d0_ref[...] + d1_ref[...] + 1.0
    row = lax.broadcasted_iota(jnp.int32, (128, 1), 0) + i * 128
    dv = jnp.where(row < N, lax.rsqrt(deg), 0.0)
    dinv_ref[...] = dv
    y_ref[...] = dv * jnp.dot(x_ref[...], w_ref[...],
                              preferred_element_type=jnp.float32)


def _tc_dense1(d0, d1, xp, W1):
    return pl.pallas_call(
        _dense1_body,
        grid=(NP // 128,),
        in_specs=[
            pl.BlockSpec((128, 1), lambda i: (i, 0)),
            pl.BlockSpec((128, 1), lambda i: (i, 0)),
            pl.BlockSpec((128, D), lambda i: (i, 0)),
            pl.BlockSpec((D, H), lambda i: (0, 0)),
        ],
        out_specs=[
            pl.BlockSpec((128, 1), lambda i: (i, 0)),
            pl.BlockSpec((128, H), lambda i: (i, 0)),
        ],
        out_shape=[
            jax.ShapeDtypeStruct((NP, 1), jnp.float32),
            jax.ShapeDtypeStruct((NP, H), jnp.float32),
        ],
    )(d0, d1, xp, W1)


def _layer_body(p0_ref, p1_ref, y_ref, dinv_ref, b_ref, w_ref, ynext_ref):
    dv = dinv_ref[...]
    h = jax.nn.relu(dv * (p0_ref[...] + p1_ref[...] + y_ref[...]) + b_ref[...])
    ynext_ref[...] = dv * jnp.dot(h, w_ref[...],
                                  preferred_element_type=jnp.float32)


def _tc_layer(p0, p1, y, dinv, b, Wn):
    return pl.pallas_call(
        _layer_body,
        grid=(NP // 128,),
        in_specs=[
            pl.BlockSpec((128, H), lambda i: (i, 0)),
            pl.BlockSpec((128, H), lambda i: (i, 0)),
            pl.BlockSpec((128, H), lambda i: (i, 0)),
            pl.BlockSpec((128, 1), lambda i: (i, 0)),
            pl.BlockSpec((1, H), lambda i: (0, 0)),
            pl.BlockSpec((H, H), lambda i: (0, 0)),
        ],
        out_specs=pl.BlockSpec((128, H), lambda i: (i, 0)),
        out_shape=jax.ShapeDtypeStruct((NP, H), jnp.float32),
    )(p0, p1, y, dinv, b, Wn)


def _head_body(p0_ref, p1_ref, y_ref, dinv_ref, u0_ref, u1_ref, b2_ref,
               b3_ref, w3_ref, wl_ref, bl_ref, out_ref, acc_ref):
    i = pl.program_id(0)
    dv = dinv_ref[...]
    h2 = jax.nn.relu(dv * (p0_ref[...] + p1_ref[...] + y_ref[...]) + b2_ref[...])
    v = dv * (u0_ref[...] + u1_ref[...] + dv)
    contrib = jnp.sum(v * h2, axis=0, keepdims=True)

    @pl.when(i == 0)
    def _():
        acc_ref[...] = jnp.zeros_like(acc_ref)

    acc_ref[...] += contrib

    @pl.when(i == NP // 128 - 1)
    def _():
        g = jnp.dot(acc_ref[...], w3_ref[...],
                    preferred_element_type=jnp.float32) * (1.0 / N) + b3_ref[...]
        logits = jnp.dot(g, wl_ref[...],
                         preferred_element_type=jnp.float32) + bl_ref[...]
        m = jnp.max(logits, axis=1, keepdims=True)
        ex = jnp.exp(logits - m)
        out_ref[...] = ex / jnp.sum(ex, axis=1, keepdims=True)


def _tc_head(p0, p1, y2, dinv, u0, u1, b2, b3, W3, Wl, bl):
    return pl.pallas_call(
        _head_body,
        grid=(NP // 128,),
        in_specs=[
            pl.BlockSpec((128, H), lambda i: (i, 0)),
            pl.BlockSpec((128, H), lambda i: (i, 0)),
            pl.BlockSpec((128, H), lambda i: (i, 0)),
            pl.BlockSpec((128, 1), lambda i: (i, 0)),
            pl.BlockSpec((128, 1), lambda i: (i, 0)),
            pl.BlockSpec((128, 1), lambda i: (i, 0)),
            pl.BlockSpec((1, H), lambda i: (0, 0)),
            pl.BlockSpec((1, H), lambda i: (0, 0)),
            pl.BlockSpec((H, H), lambda i: (0, 0)),
            pl.BlockSpec((H, C), lambda i: (0, 0)),
            pl.BlockSpec((1, C), lambda i: (0, 0)),
        ],
        out_specs=pl.BlockSpec((1, C), lambda i: (0, 0)),
        out_shape=jax.ShapeDtypeStruct((1, C), jnp.float32),
        scratch_shapes=[pltpu.VMEM((1, H), jnp.float32)],
    )(p0, p1, y2, dinv, u0, u1, b2, b3, W3, Wl, bl)



def kernel(x, edge_index, W1, b1, W2, b2, W3, b3, Wl, bl):
    sc_deg, sc_u, sc_agg = _sc_kernels()

    src = edge_index[0].astype(jnp.int32)
    dst = edge_index[1].astype(jnp.int32)
    pad = N + (jnp.arange(EP - E, dtype=jnp.int32) % (NP - N))
    srcp = jnp.concatenate([src, pad])
    dstp = jnp.concatenate([dst, pad])
    src3 = srcp.reshape(NW, CH, CK)
    dst3 = dstp.reshape(NW, CH, CK)
    col = jnp.arange(H, dtype=jnp.int32)
    srcx = (srcp[:, None] * H + col).reshape(NW * 16, CH * H // 16, CK)
    dstx = (dstp[:, None] * H + col).reshape(NW * 16, CH * H // 16, CK)
    xp = jnp.concatenate([x, jnp.zeros((NP - N, D), jnp.float32)], axis=0)
    zeros1 = jnp.zeros((NP,), jnp.float32)
    zerosf = jnp.zeros((NP * H,), jnp.float32)

    degp = sc_deg(dst3, zeros1)
    d0 = degp[0].reshape(NP, 1)
    d1 = degp[1].reshape(NP, 1)
    dinv, y1 = _tc_dense1(d0, d1, xp, W1)

    up = sc_u(dinv.reshape(NP), src3, dst3, zeros1)

    p = sc_agg(y1.reshape(NP * H), srcx, dstx, zerosf)
    p = p.reshape(2, NP, H)
    y2 = _tc_layer(p[0], p[1], y1, dinv, b1.reshape(1, H), W2)

    p2 = sc_agg(y2.reshape(NP * H), srcx, dstx, zerosf)
    p2 = p2.reshape(2, NP, H)
    out = _tc_head(p2[0], p2[1], y2, dinv,
                   up[0].reshape(NP, 1), up[1].reshape(NP, 1),
                   b2.reshape(1, H), b3.reshape(1, H), W3, Wl,
                   bl.reshape(1, C))
    return out

# --- scband reference (transcript-rebuilt; emitter-appended) ---
"""Pipeline reference for scband-sensor-gcn-24429773980016 (READ-ONLY COPY).

The authoritative reference and input builder live on the scoring server;
editing this copy changes nothing except your own understanding.
"""

import jax, jax.numpy as jnp
import numpy as np

N = 10000
E = 320000
D = 128
H = 32
C = 3


def _glorot(key, shape):
    fan_in, fan_out = shape[0], shape[1]
    s = float(np.sqrt(6.0 / (fan_in + fan_out)))
    return jax.random.uniform(key, shape, minval=-s, maxval=s, dtype=jnp.float32)


def setup_inputs(seed: int = 0) -> dict:
    key = jax.random.key(seed)
    ks = jax.random.split(key, 10)
    x = jax.random.normal(ks[0], (N, D), dtype=jnp.float32)
    edge_index = jax.random.randint(ks[1], (2, E), 0, N)
    W1 = _glorot(ks[2], (D, H)); b1 = jnp.zeros((H,), jnp.float32)
    W2 = _glorot(ks[3], (H, H)); b2 = jnp.zeros((H,), jnp.float32)
    W3 = _glorot(ks[4], (H, H)); b3 = jnp.zeros((H,), jnp.float32)
    Wl = _glorot(ks[5], (H, C)); bl = jnp.zeros((C,), jnp.float32)
    return {"x": x, "edge_index": edge_index, "W1": W1, "b1": b1, "W2": W2, "b2": b2, "W3": W3, "b3": b3, "Wl": Wl, "bl": bl}


def _gcn_conv(x, edge_index, W, b):
    # GCNConv with add_self_loops=True, symmetric normalization, edge_weight=None (ones)
    n = x.shape[0]
    loop = jnp.arange(n, dtype=edge_index.dtype)
    src = jnp.concatenate([edge_index[0], loop])
    dst = jnp.concatenate([edge_index[1], loop])
    ew = jnp.ones(src.shape[0], dtype=x.dtype)
    deg = jnp.zeros((n,), x.dtype).at[dst].add(ew)
    dinv = jnp.where(deg > 0, jax.lax.rsqrt(deg), 0.0)
    norm = dinv[src] * ew * dinv[dst]
    xw = x @ W
    msg = xw[src] * norm[:, None]
    out = jax.ops.segment_sum(msg, dst, num_segments=n)
    return out + b


def reference(x, edge_index, W1, b1, W2, b2, W3, b3, Wl, bl):
    # dropout is identity in eval mode
    h = jax.nn.relu(_gcn_conv(x, edge_index, W1, b1))
    h = jax.nn.relu(_gcn_conv(h, edge_index, W2, b2))
    h = _gcn_conv(h, edge_index, W3, b3)
    g = jnp.mean(h, axis=0, keepdims=True)  # batch=None -> global mean over nodes
    logits = g @ Wl + bl
    return jax.nn.softmax(logits, axis=1)

if __name__ == "__main__":
    import jax
    _d = setup_inputs()
    print(jax.jit(kernel)(*tuple(_d.values())))

</pallas_src>

<mosaic_0001>
#map = affine_map<(d0, d1) -> (0, 0, 0)>
#map1 = affine_map<(d0, d1) -> (0)>
#map2 = affine_map<(d0, d1) -> (0, 0)>
module attributes {stable_mosaic.version = 14 : i64} {
  func.func @sc_deg(%arg0: i32, %arg1: i32, %arg2: memref<32x80x128xi32, #tpu.memory_space<hbm>>, %arg3: memref<10240xf32, #tpu.memory_space<hbm>>, %arg4: memref<2x10240xf32, #tpu.memory_space<hbm>>, %arg5: memref<80x128xi32, #tpu.memory_space<vmem>>, %arg6: memref<128xf32, #tpu.memory_space<vmem>>, %arg7: memref<10240xf32, #tpu.memory_space<vmem_shared>>) attributes {dimension_semantics = [#tpu.dimension_semantics<core_parallel>, #tpu.dimension_semantics<subcore_parallel>], iteration_bounds = array<i64: 2, 16>, scalar_prefetch = 0 : i64, scratch_operands = 3 : i64, tpu.core_type = #tpu.core_type<sc_vector_subcore>, window_params = [{transform_indices = #map}, {transform_indices = #map1}, {transform_indices = #map2}]} {
    %mul3A = arith.constant 2 : i32
    %mul3A_0 = arith.muli %arg1, %mul3A : i32
    %add3A = arith.addi %mul3A_0, %arg0 : i32
    %mul3A_1 = arith.constant 640 : i32
    %mul3A_2 = arith.muli %arg1, %mul3A_1 : i32
    %mul3A_3 = arith.constant 640 : i32
    %mul3A_4 = arith.muli %arg1, %mul3A_3 : i32
    "tpu.region"() ({
      %run_scoped3A = tpu.sem_alloc : memref<!tpu.dma_semaphore, #tpu.memory_space<semaphore_mem>>
      %dma_start3A = tpu.memref_slice %arg7[%mul3A_4] : memref<10240xf32, #tpu.memory_space<vmem_shared>> -> memref<640xf32, #tpu.memory_space<vmem_shared>>
      %dma_start3A_61 = tpu.memref_slice %arg3[%mul3A_2] : memref<10240xf32, #tpu.memory_space<hbm>> -> memref<640xf32, #tpu.memory_space<hbm>>
      tpu.enqueue_dma source(%dma_start3A_61 : memref<640xf32, #tpu.memory_space<hbm>>) target(%dma_start3A : memref<640xf32, #tpu.memory_space<vmem_shared>>) target_semaphore(%run_scoped3A : memref<!tpu.dma_semaphore, #tpu.memory_space<semaphore_mem>>)
      %dma_wait3A = tpu.memref_slice %arg7[%mul3A_4] : memref<10240xf32, #tpu.memory_space<vmem_shared>> -> memref<640xf32, #tpu.memory_space<vmem_shared>>
      %dma_wait3A_62 = tpu.memref_slice %arg3[%mul3A_2] : memref<10240xf32, #tpu.memory_space<hbm>> -> memref<640xf32, #tpu.memory_space<hbm>>
      tpu.wait_dma2 semaphore(%run_scoped3A : memref<!tpu.dma_semaphore, #tpu.memory_space<semaphore_mem>>) src(%dma_wait3A_62 : memref<640xf32, #tpu.memory_space<hbm>>) dst(%dma_wait3A : memref<640xf32, #tpu.memory_space<vmem_shared>>)
      tpu.yield
    }) : () -> ()
    %broadcast_in_dim3A = arith.constant 1.000000e+00 : f32
    %broadcast_in_dim3A_5 = vector.broadcast %broadcast_in_dim3A : f32 to vector<16xf32>
    %swap3A = arith.constant 0 : index
    %swap3A_6 = tpu.vector_load %arg6[%swap3A] {strides = array<i32>} : memref<128xf32, #tpu.memory_space<vmem>>, vector<16xf32>,
    %swap3A_7 = vector.shape_cast %swap3A_6 : vector<16xf32> to vector<16xf32>
    %swap3A_8 = vector.shape_cast %broadcast_in_dim3A_5 : vector<16xf32> to vector<16xf32>
    tpu.vector_store %arg6[%swap3A], %swap3A_8 {strides = array<i32>} : memref<128xf32, #tpu.memory_space<vmem>>, vector<16xf32>,
    %broadcast_in_dim3A_9 = arith.constant 1.000000e+00 : f32
    %broadcast_in_dim3A_10 = vector.broadcast %broadcast_in_dim3A_9 : f32 to vector<16xf32>
    %swap3A_11 = arith.constant 16 : index
    %swap3A_12 = tpu.vector_load %arg6[%swap3A_11] {strides = array<i32>} : memref<128xf32, #tpu.memory_space<vmem>>, vector<16xf32>,
    %swap3A_13 = vector.shape_cast %swap3A_12 : vector<16xf32> to vector<16xf32>
    %swap3A_14 = vector.shape_cast %broadcast_in_dim3A_10 : vector<16xf32> to vector<16xf32>
    tpu.vector_store %arg6[%swap3A_11], %swap3A_14 {strides = array<i32>} : memref<128xf32, #tpu.memory_space<vmem>>, vector<16xf32>,
    %broadcast_in_dim3A_15 = arith.constant 1.000000e+00 : f32
    %broadcast_in_dim3A_16 = vector.broadcast %broadcast_in_dim3A_15 : f32 to vector<16xf32>
    %swap3A_17 = arith.constant 32 : index
    %swap3A_18 = tpu.vector_load %arg6[%swap3A_17] {strides = array<i32>} : memref<128xf32, #tpu.memory_space<vmem>>, vector<16xf32>,
    %swap3A_19 = vector.shape_cast %swap3A_18 : vector<16xf32> to vector<16xf32>
    %swap3A_20 = vector.shape_cast %broadcast_in_dim3A_16 : vector<16xf32> to vector<16xf32>
    tpu.vector_store %arg6[%swap3A_17], %swap3A_20 {strides = array<i32>} : memref<128xf32, #tpu.memory_space<vmem>>, vector<16xf32>,
    %broadcast_in_dim3A_21 = arith.constant 1.000000e+00 : f32
    %broadcast_in_dim3A_22 = vector.broadcast %broadcast_in_dim3A_21 : f32 to vector<16xf32>
    %swap3A_23 = arith.constant 48 : index
    %swap3A_24 = tpu.vector_load %arg6[%swap3A_23] {strides = array<i32>} : memref<128xf32, #tpu.memory_space<vmem>>, vector<16xf32>,
    %swap3A_25 = vector.shape_cast %swap3A_24 : vector<16xf32> to vector<16xf32>
    %swap3A_26 = vector.shape_cast %broadcast_in_dim3A_22 : vector<16xf32> to vector<16xf32>
    tpu.vector_store %arg6[%swap3A_23], %swap3A_26 {strides = array<i32>} : memref<128xf32, #tpu.memory_space<vmem>>, vector<16xf32>,
    %broadcast_in_dim3A_27 = arith.constant 1.000000e+00 : f32
    %broadcast_in_dim3A_28 = vector.broadcast %broadcast_in_dim3A_27 : f32 to vector<16xf32>
    %swap3A_29 = arith.constant 64 : index
    %swap3A_30 = tpu.vector_load %arg6[%swap3A_29] {strides = array<i32>} : memref<128xf32, #tpu.memory_space<vmem>>, vector<16xf32>,
    %swap3A_31 = vector.shape_cast %swap3A_30 : vector<16xf32> to vector<16xf32>
    %swap3A_32 = vector.shape_cast %broadcast_in_dim3A_28 : vector<16xf32> to vector<16xf32>
    tpu.vector_store %arg6[%swap3A_29], %swap3A_32 {strides = array<i32>} : memref<128xf32, #tpu.memory_space<vmem>>, vector<16xf32>,
    %broadcast_in_dim3A_33 = arith.constant 1.000000e+00 : f32
    %broadcast_in_dim3A_34 = vector.broadcast %broadcast_in_dim3A_33 : f32 to vector<16xf32>
    %swap3A_35 = arith.constant 80 : index
    %swap3A_36 = tpu.vector_load %arg6[%swap3A_35] {strides = array<i32>} : memref<128xf32, #tpu.memory_space<vmem>>, vector<16xf32>,
    %swap3A_37 = vector.shape_cast %swap3A_36 : vector<16xf32> to vector<16xf32>
    %swap3A_38 = vector.shape_cast %broadcast_in_dim3A_34 : vector<16xf32> to vector<16xf32>
    tpu.vector_store %arg6[%swap3A_35], %swap3A_38 {strides = array<i32>} : memref<128xf32, #tpu.memory_space<vmem>>, vector<16xf32>,
    %broadcast_in_dim3A_39 = arith.constant 1.000000e+00 : f32
    %broadcast_in_dim3A_40 = vector.broadcast %broadcast_in_dim3A_39 : f32 to vector<16xf32>
    %swap3A_41 = arith.constant 96 : index
    %swap3A_42 = tpu.vector_load %arg6[%swap3A_41] {strides = array<i32>} : memref<128xf32, #tpu.memory_space<vmem>>, vector<16xf32>,
    %swap3A_43 = vector.shape_cast %swap3A_42 : vector<16xf32> to vector<16xf32>
    %swap3A_44 = vector.shape_cast %broadcast_in_dim3A_40 : vector<16xf32> to vector<16xf32>
    tpu.vector_store %arg6[%swap3A_41], %swap3A_44 {strides = array<i32>} : memref<128xf32, #tpu.memory_space<vmem>>, vector<16xf32>,
    %broadcast_in_dim3A_45 = arith.constant 1.000000e+00 : f32
    %broadcast_in_dim3A_46 = vector.broadcast %broadcast_in_dim3A_45 : f32 to vector<16xf32>
    %swap3A_47 = arith.constant 112 : index
    %swap3A_48 = tpu.vector_load %arg6[%swap3A_47] {strides = array<i32>} : memref<128xf32, #tpu.memory_space<vmem>>, vector<16xf32>,
    %swap3A_49 = vector.shape_cast %swap3A_48 : vector<16xf32> to vector<16xf32>
    %swap3A_50 = vector.shape_cast %broadcast_in_dim3A_46 : vector<16xf32> to vector<16xf32>
    tpu.vector_store %arg6[%swap3A_47], %swap3A_50 {strides = array<i32>} : memref<128xf32, #tpu.memory_space<vmem>>, vector<16xf32>,
    "tpu.region"() ({
      %run_scoped3A = tpu.sem_alloc : memref<!tpu.dma_semaphore, #tpu.memory_space<semaphore_mem>>
      %dma_start3A = arith.constant 0 : i32
      %dma_start3A_61 = arith.constant 0 : i32
      %dma_start3A_62 = tpu.memref_slice %arg2[%add3A, %dma_start3A, %dma_start3A_61] : memref<32x80x128xi32, #tpu.memory_space<hbm>> -> memref<1x80x128xi32, #tpu.memory_space<hbm>>
      %dma_start3A_63 = tpu.memref_squeeze %dma_start3A_62 : memref<1x80x128xi32, #tpu.memory_space<hbm>> -> memref<80x128xi32, #tpu.memory_space<hbm>>
      %dma_start3A_64 = arith.constant 0 : i32
      %dma_start3A_65 = arith.constant 0 : i32
      %dma_start3A_66 = tpu.memref_slice %arg2[%add3A, %dma_start3A_64, %dma_start3A_65] : memref<32x80x128xi32, #tpu.memory_space<hbm>> -> memref<1x80x128xi32, #tpu.memory_space<hbm>>
      %dma_start3A_67 = tpu.memref_squeeze %dma_start3A_66 : memref<1x80x128xi32, #tpu.memory_space<hbm>> -> memref<80x128xi32, #tpu.memory_space<hbm>>
      tpu.enqueue_dma source(%dma_start3A_67 : memref<80x128xi32, #tpu.memory_space<hbm>>) target(%arg5 : memref<80x128xi32, #tpu.memory_space<vmem>>) target_semaphore(%run_scoped3A : memref<!tpu.dma_semaphore, #tpu.memory_space<semaphore_mem>>)
      %dma_wait3A = arith.constant 0 : i32
      %dma_wait3A_68 = arith.constant 0 : i32
      %dma_wait3A_69 = tpu.memref_slice %arg2[%add3A, %dma_wait3A, %dma_wait3A_68] : memref<32x80x128xi32, #tpu.memory_space<hbm>> -> memref<1x80x128xi32, #tpu.memory_space<hbm>>
      %dma_wait3A_70 = tpu.memref_squeeze %dma_wait3A_69 : memref<1x80x128xi32, #tpu.memory_space<hbm>> -> memref<80x128xi32, #tpu.memory_space<hbm>>
      %dma_wait3A_71 = arith.constant 0 : i32
      %dma_wait3A_72 = arith.constant 0 : i32
      %dma_wait3A_73 = tpu.memref_slice %arg2[%add3A, %dma_wait3A_71, %dma_wait3A_72] : memref<32x80x128xi32, #tpu.memory_space<hbm>> -> memref<1x80x128xi32, #tpu.memory_space<hbm>>
      %dma_wait3A_74 = tpu.memref_squeeze %dma_wait3A_73 : memref<1x80x128xi32, #tpu.memory_space<hbm>> -> memref<80x128xi32, #tpu.memory_space<hbm>>
      tpu.wait_dma2 semaphore(%run_scoped3A : memref<!tpu.dma_semaphore, #tpu.memory_space<semaphore_mem>>) src(%dma_wait3A_74 : memref<80x128xi32, #tpu.memory_space<hbm>>) dst(%arg5 : memref<80x128xi32, #tpu.memory_space<vmem>>)
      tpu.yield
    }) : () -> ()
    %barrier3A = arith.constant 0 : index
    tpu.barrier barrier_id(%barrier3A)
    %scan3A = arith.constant 0 : i32
    %scan3A_51 = arith.constant 0 : i32
    %scan3A_52 = arith.constant 80 : i32
    %scan3A_53 = arith.addi %scan3A_51, %scan3A_52 : i32
    %scan3A_54 = arith.constant 1 : i32
    scf.for %scan3A_61 = %scan3A_51 to %scan3A_53 step %scan3A_54  : i32 {
      "tpu.region"() ({
        %run_scoped3A = tpu.sem_alloc : memref<!tpu.dma_semaphore, #tpu.memory_space<semaphore_mem>>
        %dma_start3A = arith.constant 0 : i32
        %dma_start3A_62 = tpu.memref_slice %arg5[%scan3A_61, %dma_start3A] : memref<80x128xi32, #tpu.memory_space<vmem>> -> memref<1x128xi32, #tpu.memory_space<vmem>>
        %dma_start3A_63 = tpu.memref_squeeze %dma_start3A_62 : memref<1x128xi32, #tpu.memory_space<vmem>> -> memref<128xi32, #tpu.memory_space<vmem>>
        %dma_start3A_64 = arith.constant 0 : i32
        %dma_start3A_65 = tpu.memref_slice %arg7[%dma_start3A_64] : memref<10240xf32, #tpu.memory_space<vmem_shared>> -> memref<10240xf32, #tpu.memory_space<vmem_shared>>
        tpu.enqueue_indirect_dma source(%arg6 : memref<128xf32, #tpu.memory_space<vmem>>) target(%dma_start3A_65 : memref<10240xf32, #tpu.memory_space<vmem_shared>>) offsets(%dma_start3A_63 : memref<128xi32, #tpu.memory_space<vmem>>) semaphore(%run_scoped3A : memref<!tpu.dma_semaphore, #tpu.memory_space<semaphore_mem>>) {add = true}
        %dma_wait3A = arith.constant 0 : i32
        %dma_wait3A_66 = tpu.memref_slice %arg5[%scan3A_61, %dma_wait3A] : memref<80x128xi32, #tpu.memory_space<vmem>> -> memref<1x128xi32, #tpu.memory_space<vmem>>
        %dma_wait3A_67 = tpu.memref_squeeze %dma_wait3A_66 : memref<1x128xi32, #tpu.memory_space<vmem>> -> memref<128xi32, #tpu.memory_space<vmem>>
        %dma_wait3A_68 = arith.constant 0 : i32
        %dma_wait3A_69 = tpu.memref_slice %arg7[%dma_wait3A_68] : memref<10240xf32, #tpu.memory_space<vmem_shared>> -> memref<10240xf32, #tpu.memory_space<vmem_shared>>
        tpu.wait_indirect_dma semaphore(%run_scoped3A : memref<!tpu.dma_semaphore, #tpu.memory_space<semaphore_mem>>) src(%arg6 : memref<128xf32, #tpu.memory_space<vmem>>) dst(%dma_wait3A_69 : memref<10240xf32, #tpu.memory_space<vmem_shared>>)
        tpu.yield
      }) : () -> ()
    }
    %scan3A_55 = arith.constant 80 : i32
    %barrier3A_56 = arith.constant 0 : index
    tpu.barrier barrier_id(%barrier3A_56)
    %mul3A_57 = arith.constant 640 : i32
    %mul3A_58 = arith.muli %arg1, %mul3A_57 : i32
    %mul3A_59 = arith.constant 640 : i32
    %mul3A_60 = arith.muli %arg1, %mul3A_59 : i32
    "tpu.region"() ({
      %run_scoped3A = tpu.sem_alloc : memref<!tpu.dma_semaphore, #tpu.memory_space<semaphore_mem>>
      %dma_start3A = tpu.memref_slice %arg4[%arg0, %mul3A_60] : memref<2x10240xf32, #tpu.memory_space<hbm>> -> memref<1x640xf32, #tpu.memory_space<hbm>>
      %dma_start3A_61 = tpu.memref_squeeze %dma_start3A : memref<1x640xf32, #tpu.memory_space<hbm>> -> memref<640xf32, #tpu.memory_space<hbm>>
      %dma_start3A_62 = tpu.memref_slice %arg7[%mul3A_58] : memref<10240xf32, #tpu.memory_space<vmem_shared>> -> memref<640xf32, #tpu.memory_space<vmem_shared>>
      tpu.enqueue_dma source(%dma_start3A_62 : memref<640xf32, #tpu.memory_space<vmem_shared>>) target(%dma_start3A_61 : memref<640xf32, #tpu.memory_space<hbm>>) target_semaphore(%run_scoped3A : memref<!tpu.dma_semaphore, #tpu.memory_space<semaphore_mem>>)
      %dma_wait3A = tpu.memref_slice %arg4[%arg0, %mul3A_60] : memref<2x10240xf32, #tpu.memory_space<hbm>> -> memref<1x640xf32, #tpu.memory_space<hbm>>
      %dma_wait3A_63 = tpu.memref_squeeze %dma_wait3A : memref<1x640xf32, #tpu.memory_space<hbm>> -> memref<640xf32, #tpu.memory_space<hbm>>
      %dma_wait3A_64 = tpu.memref_slice %arg7[%mul3A_58] : memref<10240xf32, #tpu.memory_space<vmem_shared>> -> memref<640xf32, #tpu.memory_space<vmem_shared>>
      tpu.wait_dma2 semaphore(%run_scoped3A : memref<!tpu.dma_semaphore, #tpu.memory_space<semaphore_mem>>) src(%dma_wait3A_64 : memref<640xf32, #tpu.memory_space<vmem_shared>>) dst(%dma_wait3A_63 : memref<640xf32, #tpu.memory_space<hbm>>)
      tpu.yield
    }) : () -> ()
    return
  }
}

#map = affine_map<(d0, d1) -> (0)>
#map1 = affine_map<(d0, d1) -> (0, 0, 0)>
#map2 = affine_map<(d0, d1) -> (0, 0)>
module attributes {stable_mosaic.version = 14 : i64} {
  func.func @sc_agg_el(%arg0: i32, %arg1: i32, %arg2: memref<327680xf32, #tpu.memory_space<hbm>>, %arg3: memref<512x160x128xi32, #tpu.memory_space<hbm>>, %arg4: memref<512x160x128xi32, #tpu.memory_space<hbm>>, %arg5: memref<327680xf32, #tpu.memory_space<hbm>>, %arg6: memref<2x327680xf32, #tpu.memory_space<hbm>>, %arg7: memref<160x128xi32, #tpu.memory_space<vmem>>, %arg8: memref<160x128xi32, #tpu.memory_space<vmem>>, %arg9: memref<128xf32, #tpu.memory_space<vmem>>, %arg10: memref<327680xf32, #tpu.memory_space<vmem_shared>>, %arg11: memref<327680xf32, #tpu.memory_space<vmem_shared>>) attributes {dimension_semantics = [#tpu.dimension_semantics<core_parallel>, #tpu.dimension_semantics<subcore_parallel>], iteration_bounds = array<i64: 2, 16>, scalar_prefetch = 0 : i64, scratch_operands = 5 : i64, tpu.core_type = #tpu.core_type<sc_vector_subcore>, window_params = [{transform_indices = #map}, {transform_indices = #map1}, {transform_indices = #map1}, {transform_indices = #map}, {transform_indices = #map2}]} {
    %mul3A = arith.constant 2 : i32
    %mul3A_0 = arith.muli %arg1, %mul3A : i32
    %add3A = arith.addi %mul3A_0, %arg0 : i32
    %mul3A_1 = arith.constant 20480 : i32
    %mul3A_2 = arith.muli %arg1, %mul3A_1 : i32
    %mul3A_3 = arith.constant 20480 : i32
    %mul3A_4 = arith.muli %arg1, %mul3A_3 : i32
    "tpu.region"() ({
      %run_scoped3A = tpu.sem_alloc : memref<!tpu.dma_semaphore, #tpu.memory_space<semaphore_mem>>
      %dma_start3A = tpu.memref_slice %arg10[%mul3A_4] : memref<327680xf32, #tpu.memory_space<vmem_shared>> -> memref<20480xf32, #tpu.memory_space<vmem_shared>>
      %dma_start3A_19 = tpu.memref_slice %arg5[%mul3A_2] : memref<327680xf32, #tpu.memory_space<hbm>> -> memref<20480xf32, #tpu.memory_space<hbm>>
      tpu.enqueue_dma source(%dma_start3A_19 : memref<20480xf32, #tpu.memory_space<hbm>>) target(%dma_start3A : memref<20480xf32, #tpu.memory_space<vmem_shared>>) target_semaphore(%run_scoped3A : memref<!tpu.dma_semaphore, #tpu.memory_space<semaphore_mem>>)
      %dma_wait3A = tpu.memref_slice %arg10[%mul3A_4] : memref<327680xf32, #tpu.memory_space<vmem_shared>> -> memref<20480xf32, #tpu.memory_space<vmem_shared>>
      %dma_wait3A_20 = tpu.memref_slice %arg5[%mul3A_2] : memref<327680xf32, #tpu.memory_space<hbm>> -> memref<20480xf32, #tpu.memory_space<hbm>>
      tpu.wait_dma2 semaphore(%run_scoped3A : memref<!tpu.dma_semaphore, #tpu.memory_space<semaphore_mem>>) src(%dma_wait3A_20 : memref<20480xf32, #tpu.memory_space<hbm>>) dst(%dma_wait3A : memref<20480xf32, #tpu.memory_space<vmem_shared>>)
      tpu.yield
    }) : () -> ()
    %mul3A_5 = arith.constant 20480 : i32
    %mul3A_6 = arith.muli %arg1, %mul3A_5 : i32
    %mul3A_7 = arith.constant 20480 : i32
    %mul3A_8 = arith.muli %arg1, %mul3A_7 : i32
    "tpu.region"() ({
      %run_scoped3A = tpu.sem_alloc : memref<!tpu.dma_semaphore, #tpu.memory_space<semaphore_mem>>
      %dma_start3A = tpu.memref_slice %arg11[%mul3A_8] : memref<327680xf32, #tpu.memory_space<vmem_shared>> -> memref<20480xf32, #tpu.memory_space<vmem_shared>>
      %dma_start3A_19 = tpu.memref_slice %arg2[%mul3A_6] : memref<327680xf32, #tpu.memory_space<hbm>> -> memref<20480xf32, #tpu.memory_space<hbm>>
      tpu.enqueue_dma source(%dma_start3A_19 : memref<20480xf32, #tpu.memory_space<hbm>>) target(%dma_start3A : memref<20480xf32, #tpu.memory_space<vmem_shared>>) target_semaphore(%run_scoped3A : memref<!tpu.dma_semaphore, #tpu.memory_space<semaphore_mem>>)
      %dma_wait3A = tpu.memref_slice %arg11[%mul3A_8] : memref<327680xf32, #tpu.memory_space<vmem_shared>> -> memref<20480xf32, #tpu.memory_space<vmem_shared>>
      %dma_wait3A_20 = tpu.memref_slice %arg2[%mul3A_6] : memref<327680xf32, #tpu.memory_space<hbm>> -> memref<20480xf32, #tpu.memory_space<hbm>>
      tpu.wait_dma2 semaphore(%run_scoped3A : memref<!tpu.dma_semaphore, #tpu.memory_space<semaphore_mem>>) src(%dma_wait3A_20 : memref<20480xf32, #tpu.memory_space<hbm>>) dst(%dma_wait3A : memref<20480xf32, #tpu.memory_space<vmem_shared>>)
      tpu.yield
    }) : () -> ()
    %barrier3A = arith.constant 0 : index
    tpu.barrier barrier_id(%barrier3A)
    %scan3A = arith.constant 0 : i32
    %scan3A_9 = arith.constant 0 : i32
    %scan3A_10 = arith.constant 16 : i32
    %scan3A_11 = arith.addi %scan3A_9, %scan3A_10 : i32
    %scan3A_12 = arith.constant 1 : i32
    scf.for %scan3A_19 = %scan3A_9 to %scan3A_11 step %scan3A_12  : i32 {
      %mul3A_20 = arith.constant 16 : i32
      %mul3A_21 = arith.muli %add3A, %mul3A_20 : i32
      %add3A_22 = arith.addi %mul3A_21, %scan3A_19 : i32
      "tpu.region"() ({
        %run_scoped3A = tpu.sem_alloc : memref<!tpu.dma_semaphore, #tpu.memory_space<semaphore_mem>>
        %dma_start3A = arith.constant 0 : i32
        %dma_start3A_32 = arith.constant 0 : i32
        %dma_start3A_33 = tpu.memref_slice %arg3[%add3A_22, %dma_start3A, %dma_start3A_32] : memref<512x160x128xi32, #tpu.memory_space<hbm>> -> memref<1x160x128xi32, #tpu.memory_space<hbm>>
        %dma_start3A_34 = tpu.memref_squeeze %dma_start3A_33 : memref<1x160x128xi32, #tpu.memory_space<hbm>> -> memref<160x128xi32, #tpu.memory_space<hbm>>
        %dma_start3A_35 = arith.constant 0 : i32
        %dma_start3A_36 = arith.constant 0 : i32
        %dma_start3A_37 = tpu.memref_slice %arg3[%add3A_22, %dma_start3A_35, %dma_start3A_36] : memref<512x160x128xi32, #tpu.memory_space<hbm>> -> memref<1x160x128xi32, #tpu.memory_space<hbm>>
        %dma_start3A_38 = tpu.memref_squeeze %dma_start3A_37 : memref<1x160x128xi32, #tpu.memory_space<hbm>> -> memref<160x128xi32, #tpu.memory_space<hbm>>
        tpu.enqueue_dma source(%dma_start3A_38 : memref<160x128xi32, #tpu.memory_space<hbm>>) target(%arg7 : memref<160x128xi32, #tpu.memory_space<vmem>>) target_semaphore(%run_scoped3A : memref<!tpu.dma_semaphore, #tpu.memory_space<semaphore_mem>>)
        %dma_wait3A = arith.constant 0 : i32
        %dma_wait3A_39 = arith.constant 0 : i32
        %dma_wait3A_40 = tpu.memref_slice %arg3[%add3A_22, %dma_wait3A, %dma_wait3A_39] : memref<512x160x128xi32, #tpu.memory_space<hbm>> -> memref<1x160x128xi32, #tpu.memory_space<hbm>>
        %dma_wait3A_41 = tpu.memref_squeeze %dma_wait3A_40 : memref<1x160x128xi32, #tpu.memory_space<hbm>> -> memref<160x128xi32, #tpu.memory_space<hbm>>
        %dma_wait3A_42 = arith.constant 0 : i32
        %dma_wait3A_43 = arith.constant 0 : i32
        %dma_wait3A_44 = tpu.memref_slice %arg3[%add3A_22, %dma_wait3A_42, %dma_wait3A_43] : memref<512x160x128xi32, #tpu.memory_space<hbm>> -> memref<1x160x128xi32, #tpu.memory_space<hbm>>
        %dma_wait3A_45 = tpu.memref_squeeze %dma_wait3A_44 : memref<1x160x128xi32, #tpu.memory_space<hbm>> -> memref<160x128xi32, #tpu.memory_space<hbm>>
        tpu.wait_dma2 semaphore(%run_scoped3A : memref<!tpu.dma_semaphore, #tpu.memory_space<semaphore_mem>>) src(%dma_wait3A_45 : memref<160x128xi32, #tpu.memory_space<hbm>>) dst(%arg7 : memref<160x128xi32, #tpu.memory_space<vmem>>)
        tpu.yield
      }) : () -> ()
      %mul3A_23 = arith.constant 16 : i32
      %mul3A_24 = arith.muli %add3A, %mul3A_23 : i32
      %add3A_25 = arith.addi %mul3A_24, %scan3A_19 : i32
      "tpu.region"() ({
        %run_scoped3A = tpu.sem_alloc : memref<!tpu.dma_semaphore, #tpu.memory_space<semaphore_mem>>
        %dma_start3A = arith.constant 0 : i32
        %dma_start3A_32 = arith.constant 0 : i32
        %dma_start3A_33 = tpu.memref_slice %arg4[%add3A_25, %dma_start3A, %dma_start3A_32] : memref<512x160x128xi32, #tpu.memory_space<hbm>> -> memref<1x160x128xi32, #tpu.memory_space<hbm>>
        %dma_start3A_34 = tpu.memref_squeeze %dma_start3A_33 : memref<1x160x128xi32, #tpu.memory_space<hbm>> -> memref<160x128xi32, #tpu.memory_space<hbm>>
        %dma_start3A_35 = arith.constant 0 : i32
        %dma_start3A_36 = arith.constant 0 : i32
        %dma_start3A_37 = tpu.memref_slice %arg4[%add3A_25, %dma_start3A_35, %dma_start3A_36] : memref<512x160x128xi32, #tpu.memory_space<hbm>> -> memref<1x160x128xi32, #tpu.memory_space<hbm>>
        %dma_start3A_38 = tpu.memref_squeeze %dma_start3A_37 : memref<1x160x128xi32, #tpu.memory_space<hbm>> -> memref<160x128xi32, #tpu.memory_space<hbm>>
        tpu.enqueue_dma source(%dma_start3A_38 : memref<160x128xi32, #tpu.memory_space<hbm>>) target(%arg8 : memref<160x128xi32, #tpu.memory_space<vmem>>) target_semaphore(%run_scoped3A : memref<!tpu.dma_semaphore, #tpu.memory_space<semaphore_mem>>)
        %dma_wait3A = arith.constant 0 : i32
        %dma_wait3A_39 = arith.constant 0 : i32
        %dma_wait3A_40 = tpu.memref_slice %arg4[%add3A_25, %dma_wait3A, %dma_wait3A_39] : memref<512x160x128xi32, #tpu.memory_space<hbm>> -> memref<1x160x128xi32, #tpu.memory_space<hbm>>
        %dma_wait3A_41 = tpu.memref_squeeze %dma_wait3A_40 : memref<1x160x128xi32, #tpu.memory_space<hbm>> -> memref<160x128xi32, #tpu.memory_space<hbm>>
        %dma_wait3A_42 = arith.constant 0 : i32
        %dma_wait3A_43 = arith.constant 0 : i32
        %dma_wait3A_44 = tpu.memref_slice %arg4[%add3A_25, %dma_wait3A_42, %dma_wait3A_43] : memref<512x160x128xi32, #tpu.memory_space<hbm>> -> memref<1x160x128xi32, #tpu.memory_space<hbm>>
        %dma_wait3A_45 = tpu.memref_squeeze %dma_wait3A_44 : memref<1x160x128xi32, #tpu.memory_space<hbm>> -> memref<160x128xi32, #tpu.memory_space<hbm>>
        tpu.wait_dma2 semaphore(%run_scoped3A : memref<!tpu.dma_semaphore, #tpu.memory_space<semaphore_mem>>) src(%dma_wait3A_45 : memref<160x128xi32, #tpu.memory_space<hbm>>) dst(%arg8 : memref<160x128xi32, #tpu.memory_space<vmem>>)
        tpu.yield
      }) : () -> ()
      %scan3A_26 = arith.constant 0 : i32
      %scan3A_27 = arith.constant 0 : i32
      %scan3A_28 = arith.constant 160 : i32
      %scan3A_29 = arith.addi %scan3A_27, %scan3A_28 : i32
      %scan3A_30 = arith.constant 1 : i32
      scf.for %scan3A_32 = %scan3A_27 to %scan3A_29 step %scan3A_30  : i32 {
        "tpu.region"() ({
          %run_scoped3A = tpu.sem_alloc : memref<!tpu.dma_semaphore, #tpu.memory_space<semaphore_mem>>
          %dma_start3A = arith.constant 0 : i32
          %dma_start3A_33 = tpu.memref_slice %arg7[%scan3A_32, %dma_start3A] : memref<160x128xi32, #tpu.memory_space<vmem>> -> memref<1x128xi32, #tpu.memory_space<vmem>>
          %dma_start3A_34 = tpu.memref_squeeze %dma_start3A_33 : memref<1x128xi32, #tpu.memory_space<vmem>> -> memref<128xi32, #tpu.memory_space<vmem>>
          %dma_start3A_35 = arith.constant 0 : i32
          %dma_start3A_36 = tpu.memref_slice %arg11[%dma_start3A_35] : memref<327680xf32, #tpu.memory_space<vmem_shared>> -> memref<327680xf32, #tpu.memory_space<vmem_shared>>
          tpu.enqueue_indirect_dma source(%dma_start3A_36 : memref<327680xf32, #tpu.memory_space<vmem_shared>>) target(%arg9 : memref<128xf32, #tpu.memory_space<vmem>>) offsets(%dma_start3A_34 : memref<128xi32, #tpu.memory_space<vmem>>) semaphore(%run_scoped3A : memref<!tpu.dma_semaphore, #tpu.memory_space<semaphore_mem>>)
          %dma_wait3A = arith.constant 0 : i32
          %dma_wait3A_37 = tpu.memref_slice %arg7[%scan3A_32, %dma_wait3A] : memref<160x128xi32, #tpu.memory_space<vmem>> -> memref<1x128xi32, #tpu.memory_space<vmem>>
          %dma_wait3A_38 = tpu.memref_squeeze %dma_wait3A_37 : memref<1x128xi32, #tpu.memory_space<vmem>> -> memref<128xi32, #tpu.memory_space<vmem>>
          %dma_wait3A_39 = arith.constant 0 : i32
          %dma_wait3A_40 = tpu.memref_slice %arg11[%dma_wait3A_39] : memref<327680xf32, #tpu.memory_space<vmem_shared>> -> memref<327680xf32, #tpu.memory_space<vmem_shared>>
          tpu.wait_indirect_dma semaphore(%run_scoped3A : memref<!tpu.dma_semaphore, #tpu.memory_space<semaphore_mem>>) src(%dma_wait3A_40 : memref<327680xf32, #tpu.memory_space<vmem_shared>>) dst(%arg9 : memref<128xf32, #tpu.memory_space<vmem>>)
          tpu.yield
        }) : () -> ()
        "tpu.region"() ({
          %run_scoped3A = tpu.sem_alloc : memref<!tpu.dma_semaphore, #tpu.memory_space<semaphore_mem>>
          %dma_start3A = arith.constant 0 : i32
          %dma_start3A_33 = tpu.memref_slice %arg8[%scan3A_32, %dma_start3A] : memref<160x128xi32, #tpu.memory_space<vmem>> -> memref<1x128xi32, #tpu.memory_space<vmem>>
          %dma_start3A_34 = tpu.memref_squeeze %dma_start3A_33 : memref<1x128xi32, #tpu.memory_space<vmem>> -> memref<128xi32, #tpu.memory_space<vmem>>
          %dma_start3A_35 = arith.constant 0 : i32
          %dma_start3A_36 = tpu.memref_slice %arg10[%dma_start3A_35] : memref<327680xf32, #tpu.memory_space<vmem_shared>> -> memref<327680xf32, #tpu.memory_space<vmem_shared>>
          tpu.enqueue_indirect_dma source(%arg9 : memref<128xf32, #tpu.memory_space<vmem>>) target(%dma_start3A_36 : memref<327680xf32, #tpu.memory_space<vmem_shared>>) offsets(%dma_start3A_34 : memref<128xi32, #tpu.memory_space<vmem>>) semaphore(%run_scoped3A : memref<!tpu.dma_semaphore, #tpu.memory_space<semaphore_mem>>) {add = true}
          %dma_wait3A = arith.constant 0 : i32
          %dma_wait3A_37 = tpu.memref_slice %arg8[%scan3A_32, %dma_wait3A] : memref<160x128xi32, #tpu.memory_space<vmem>> -> memref<1x128xi32, #tpu.memory_space<vmem>>
          %dma_wait3A_38 = tpu.memref_squeeze %dma_wait3A_37 : memref<1x128xi32, #tpu.memory_space<vmem>> -> memref<128xi32, #tpu.memory_space<vmem>>
          %dma_wait3A_39 = arith.constant 0 : i32
          %dma_wait3A_40 = tpu.memref_slice %arg10[%dma_wait3A_39] : memref<327680xf32, #tpu.memory_space<vmem_shared>> -> memref<327680xf32, #tpu.memory_space<vmem_shared>>
          tpu.wait_indirect_dma semaphore(%run_scoped3A : memref<!tpu.dma_semaphore, #tpu.memory_space<semaphore_mem>>) src(%arg9 : memref<128xf32, #tpu.memory_space<vmem>>) dst(%dma_wait3A_40 : memref<327680xf32, #tpu.memory_space<vmem_shared>>)
          tpu.yield
        }) : () -> ()
      }
      %scan3A_31 = arith.constant 160 : i32
    }
    %scan3A_13 = arith.constant 16 : i32
    %barrier3A_14 = arith.constant 0 : index
    tpu.barrier barrier_id(%barrier3A_14)
    %mul3A_15 = arith.constant 20480 : i32
    %mul3A_16 = arith.muli %arg1, %mul3A_15 : i32
    %mul3A_17 = arith.constant 20480 : i32
    %mul3A_18 = arith.muli %arg1, %mul3A_17 : i32
    "tpu.region"() ({
      %run_scoped3A = tpu.sem_alloc : memref<!tpu.dma_semaphore, #tpu.memory_space<semaphore_mem>>
      %dma_start3A = tpu.memref_slice %arg6[%arg0, %mul3A_18] : memref<2x327680xf32, #tpu.memory_space<hbm>> -> memref<1x20480xf32, #tpu.memory_space<hbm>>
      %dma_start3A_19 = tpu.memref_squeeze %dma_start3A : memref<1x20480xf32, #tpu.memory_space<hbm>> -> memref<20480xf32, #tpu.memory_space<hbm>>
      %dma_start3A_20 = tpu.memref_slice %arg10[%mul3A_16] : memref<327680xf32, #tpu.memory_space<vmem_shared>> -> memref<20480xf32, #tpu.memory_space<vmem_shared>>
      tpu.enqueue_dma source(%dma_start3A_20 : memref<20480xf32, #tpu.memory_space<vmem_shared>>) target(%dma_start3A_19 : memref<20480xf32, #tpu.memory_space<hbm>>) target_semaphore(%run_scoped3A : memref<!tpu.dma_semaphore, #tpu.memory_space<semaphore_mem>>)
      %dma_wait3A = tpu.memref_slice %arg6[%arg0, %mul3A_18] : memref<2x327680xf32, #tpu.memory_space<hbm>> -> memref<1x20480xf32, #tpu.memory_space<hbm>>
      %dma_wait3A_21 = tpu.memref_squeeze %dma_wait3A : memref<1x20480xf32, #tpu.memory_space<hbm>> -> memref<20480xf32, #tpu.memory_space<hbm>>
      %dma_wait3A_22 = tpu.memref_slice %arg10[%mul3A_16] : memref<327680xf32, #tpu.memory_space<vmem_shared>> -> memref<20480xf32, #tpu.memory_space<vmem_shared>>
      tpu.wait_dma2 semaphore(%run_scoped3A : memref<!tpu.dma_semaphore, #tpu.memory_space<semaphore_mem>>) src(%dma_wait3A_22 : memref<20480xf32, #tpu.memory_space<vmem_shared>>) dst(%dma_wait3A_21 : memref<20480xf32, #tpu.memory_space<hbm>>)
      tpu.yield
    }) : () -> ()
    return
  }
}

#map = affine_map<(d0, d1) -> (0)>
#map1 = affine_map<(d0, d1) -> (0, 0, 0)>
#map2 = affine_map<(d0, d1) -> (0, 0)>
module attributes {stable_mosaic.version = 14 : i64} {
  func.func @sc_u(%arg0: i32, %arg1: i32, %arg2: memref<10240xf32, #tpu.memory_space<hbm>>, %arg3: memref<32x80x128xi32, #tpu.memory_space<hbm>>, %arg4: memref<32x80x128xi32, #tpu.memory_space<hbm>>, %arg5: memref<10240xf32, #tpu.memory_space<hbm>>, %arg6: memref<2x10240xf32, #tpu.memory_space<hbm>>, %arg7: memref<80x128xi32, #tpu.memory_space<vmem>>, %arg8: memref<80x128xi32, #tpu.memory_space<vmem>>, %arg9: memref<128xf32, #tpu.memory_space<vmem>>, %arg10: memref<10240xf32, #tpu.memory_space<vmem_shared>>, %arg11: memref<10240xf32, #tpu.memory_space<vmem_shared>>, %arg12: memref<!tpu.dma_semaphore, #tpu.memory_space<semaphore_mem>>) attributes {dimension_semantics = [#tpu.dimension_semantics<core_parallel>, #tpu.dimension_semantics<subcore_parallel>], iteration_bounds = array<i64: 2, 16>, scalar_prefetch = 0 : i64, scratch_operands = 6 : i64, tpu.core_type = #tpu.core_type<sc_vector_subcore>, window_params = [{transform_indices = #map}, {transform_indices = #map1}, {transform_indices = #map1}, {transform_indices = #map}, {transform_indices = #map2}]} {
    %mul3A = arith.constant 2 : i32
    %mul3A_0 = arith.muli %arg1, %mul3A : i32
    %add3A = arith.addi %mul3A_0, %arg0 : i32
    %mul3A_1 = arith.constant 640 : i32
    %mul3A_2 = arith.muli %arg1, %mul3A_1 : i32
    %mul3A_3 = arith.constant 640 : i32
    %mul3A_4 = arith.muli %arg1, %mul3A_3 : i32
    "tpu.region"() ({
      %run_scoped3A = tpu.sem_alloc : memref<!tpu.dma_semaphore, #tpu.memory_space<semaphore_mem>>
      %dma_start3A = tpu.memref_slice %arg10[%mul3A_4] : memref<10240xf32, #tpu.memory_space<vmem_shared>> -> memref<640xf32, #tpu.memory_space<vmem_shared>>
      %dma_start3A_19 = tpu.memref_slice %arg5[%mul3A_2] : memref<10240xf32, #tpu.memory_space<hbm>> -> memref<640xf32, #tpu.memory_space<hbm>>
      tpu.enqueue_dma source(%dma_start3A_19 : memref<640xf32, #tpu.memory_space<hbm>>) target(%dma_start3A : memref<640xf32, #tpu.memory_space<vmem_shared>>) target_semaphore(%run_scoped3A : memref<!tpu.dma_semaphore, #tpu.memory_space<semaphore_mem>>)
      %dma_wait3A = tpu.memref_slice %arg10[%mul3A_4] : memref<10240xf32, #tpu.memory_space<vmem_shared>> -> memref<640xf32, #tpu.memory_space<vmem_shared>>
      %dma_wait3A_20 = tpu.memref_slice %arg5[%mul3A_2] : memref<10240xf32, #tpu.memory_space<hbm>> -> memref<640xf32, #tpu.memory_space<hbm>>
      tpu.wait_dma2 semaphore(%run_scoped3A : memref<!tpu.dma_semaphore, #tpu.memory_space<semaphore_mem>>) src(%dma_wait3A_20 : memref<640xf32, #tpu.memory_space<hbm>>) dst(%dma_wait3A : memref<640xf32, #tpu.memory_space<vmem_shared>>)
      tpu.yield
    }) : () -> ()
    %mul3A_5 = arith.constant 640 : i32
    %mul3A_6 = arith.muli %arg1, %mul3A_5 : i32
    %mul3A_7 = arith.constant 640 : i32
    %mul3A_8 = arith.muli %arg1, %mul3A_7 : i32
    "tpu.region"() ({
      %run_scoped3A = tpu.sem_alloc : memref<!tpu.dma_semaphore, #tpu.memory_space<semaphore_mem>>
      %dma_start3A = tpu.memref_slice %arg11[%mul3A_8] : memref<10240xf32, #tpu.memory_space<vmem_shared>> -> memref<640xf32, #tpu.memory_space<vmem_shared>>
      %dma_start3A_19 = tpu.memref_slice %arg2[%mul3A_6] : memref<10240xf32, #tpu.memory_space<hbm>> -> memref<640xf32, #tpu.memory_space<hbm>>
      tpu.enqueue_dma source(%dma_start3A_19 : memref<640xf32, #tpu.memory_space<hbm>>) target(%dma_start3A : memref<640xf32, #tpu.memory_space<vmem_shared>>) target_semaphore(%run_scoped3A : memref<!tpu.dma_semaphore, #tpu.memory_space<semaphore_mem>>)
      %dma_wait3A = tpu.memref_slice %arg11[%mul3A_8] : memref<10240xf32, #tpu.memory_space<vmem_shared>> -> memref<640xf32, #tpu.memory_space<vmem_shared>>
      %dma_wait3A_20 = tpu.memref_slice %arg2[%mul3A_6] : memref<10240xf32, #tpu.memory_space<hbm>> -> memref<640xf32, #tpu.memory_space<hbm>>
      tpu.wait_dma2 semaphore(%run_scoped3A : memref<!tpu.dma_semaphore, #tpu.memory_space<semaphore_mem>>) src(%dma_wait3A_20 : memref<640xf32, #tpu.memory_space<hbm>>) dst(%dma_wait3A : memref<640xf32, #tpu.memory_space<vmem_shared>>)
      tpu.yield
    }) : () -> ()
    "tpu.region"() ({
      %run_scoped3A = tpu.sem_alloc : memref<!tpu.dma_semaphore, #tpu.memory_space<semaphore_mem>>
      %dma_start3A = arith.constant 0 : i32
      %dma_start3A_19 = arith.constant 0 : i32
      %dma_start3A_20 = tpu.memref_slice %arg3[%add3A, %dma_start3A, %dma_start3A_19] : memref<32x80x128xi32, #tpu.memory_space<hbm>> -> memref<1x80x128xi32, #tpu.memory_space<hbm>>
      %dma_start3A_21 = tpu.memref_squeeze %dma_start3A_20 : memref<1x80x128xi32, #tpu.memory_space<hbm>> -> memref<80x128xi32, #tpu.memory_space<hbm>>
      %dma_start3A_22 = arith.constant 0 : i32
      %dma_start3A_23 = arith.constant 0 : i32
      %dma_start3A_24 = tpu.memref_slice %arg3[%add3A, %dma_start3A_22, %dma_start3A_23] : memref<32x80x128xi32, #tpu.memory_space<hbm>> -> memref<1x80x128xi32, #tpu.memory_space<hbm>>
      %dma_start3A_25 = tpu.memref_squeeze %dma_start3A_24 : memref<1x80x128xi32, #tpu.memory_space<hbm>> -> memref<80x128xi32, #tpu.memory_space<hbm>>
      tpu.enqueue_dma source(%dma_start3A_25 : memref<80x128xi32, #tpu.memory_space<hbm>>) target(%arg7 : memref<80x128xi32, #tpu.memory_space<vmem>>) target_semaphore(%run_scoped3A : memref<!tpu.dma_semaphore, #tpu.memory_space<semaphore_mem>>)
      %dma_wait3A = arith.constant 0 : i32
      %dma_wait3A_26 = arith.constant 0 : i32
      %dma_wait3A_27 = tpu.memref_slice %arg3[%add3A, %dma_wait3A, %dma_wait3A_26] : memref<32x80x128xi32, #tpu.memory_space<hbm>> -> memref<1x80x128xi32, #tpu.memory_space<hbm>>
      %dma_wait3A_28 = tpu.memref_squeeze %dma_wait3A_27 : memref<1x80x128xi32, #tpu.memory_space<hbm>> -> memref<80x128xi32, #tpu.memory_space<hbm>>
      %dma_wait3A_29 = arith.constant 0 : i32
      %dma_wait3A_30 = arith.constant 0 : i32
      %dma_wait3A_31 = tpu.memref_slice %arg3[%add3A, %dma_wait3A_29, %dma_wait3A_30] : memref<32x80x128xi32, #tpu.memory_space<hbm>> -> memref<1x80x128xi32, #tpu.memory_space<hbm>>
      %dma_wait3A_32 = tpu.memref_squeeze %dma_wait3A_31 : memref<1x80x128xi32, #tpu.memory_space<hbm>> -> memref<80x128xi32, #tpu.memory_space<hbm>>
      tpu.wait_dma2 semaphore(%run_scoped3A : memref<!tpu.dma_semaphore, #tpu.memory_space<semaphore_mem>>) src(%dma_wait3A_32 : memref<80x128xi32, #tpu.memory_space<hbm>>) dst(%arg7 : memref<80x128xi32, #tpu.memory_space<vmem>>)
      tpu.yield
    }) : () -> ()
    "tpu.region"() ({
      %run_scoped3A = tpu.sem_alloc : memref<!tpu.dma_semaphore, #tpu.memory_space<semaphore_mem>>
      %dma_start3A = arith.constant 0 : i32
      %dma_start3A_19 = arith.constant 0 : i32
      %dma_start3A_20 = tpu.memref_slice %arg4[%add3A, %dma_start3A, %dma_start3A_19] : memref<32x80x128xi32, #tpu.memory_space<hbm>> -> memref<1x80x128xi32, #tpu.memory_space<hbm>>
      %dma_start3A_21 = tpu.memref_squeeze %dma_start3A_20 : memref<1x80x128xi32, #tpu.memory_space<hbm>> -> memref<80x128xi32, #tpu.memory_space<hbm>>
      %dma_start3A_22 = arith.constant 0 : i32
      %dma_start3A_23 = arith.constant 0 : i32
      %dma_start3A_24 = tpu.memref_slice %arg4[%add3A, %dma_start3A_22, %dma_start3A_23] : memref<32x80x128xi32, #tpu.memory_space<hbm>> -> memref<1x80x128xi32, #tpu.memory_space<hbm>>
      %dma_start3A_25 = tpu.memref_squeeze %dma_start3A_24 : memref<1x80x128xi32, #tpu.memory_space<hbm>> -> memref<80x128xi32, #tpu.memory_space<hbm>>
      tpu.enqueue_dma source(%dma_start3A_25 : memref<80x128xi32, #tpu.memory_space<hbm>>) target(%arg8 : memref<80x128xi32, #tpu.memory_space<vmem>>) target_semaphore(%run_scoped3A : memref<!tpu.dma_semaphore, #tpu.memory_space<semaphore_mem>>)
      %dma_wait3A = arith.constant 0 : i32
      %dma_wait3A_26 = arith.constant 0 : i32
      %dma_wait3A_27 = tpu.memref_slice %arg4[%add3A, %dma_wait3A, %dma_wait3A_26] : memref<32x80x128xi32, #tpu.memory_space<hbm>> -> memref<1x80x128xi32, #tpu.memory_space<hbm>>
      %dma_wait3A_28 = tpu.memref_squeeze %dma_wait3A_27 : memref<1x80x128xi32, #tpu.memory_space<hbm>> -> memref<80x128xi32, #tpu.memory_space<hbm>>
      %dma_wait3A_29 = arith.constant 0 : i32
      %dma_wait3A_30 = arith.constant 0 : i32
      %dma_wait3A_31 = tpu.memref_slice %arg4[%add3A, %dma_wait3A_29, %dma_wait3A_30] : memref<32x80x128xi32, #tpu.memory_space<hbm>> -> memref<1x80x128xi32, #tpu.memory_space<hbm>>
      %dma_wait3A_32 = tpu.memref_squeeze %dma_wait3A_31 : memref<1x80x128xi32, #tpu.memory_space<hbm>> -> memref<80x128xi32, #tpu.memory_space<hbm>>
      tpu.wait_dma2 semaphore(%run_scoped3A : memref<!tpu.dma_semaphore, #tpu.memory_space<semaphore_mem>>) src(%dma_wait3A_32 : memref<80x128xi32, #tpu.memory_space<hbm>>) dst(%arg8 : memref<80x128xi32, #tpu.memory_space<vmem>>)
      tpu.yield
    }) : () -> ()
    %barrier3A = arith.constant 0 : index
    tpu.barrier barrier_id(%barrier3A)
    %scan3A = arith.constant 0 : i32
    %scan3A_9 = arith.constant 0 : i32
    %scan3A_10 = arith.constant 80 : i32
    %scan3A_11 = arith.addi %scan3A_9, %scan3A_10 : i32
    %scan3A_12 = arith.constant 1 : i32
    scf.for %scan3A_19 = %scan3A_9 to %scan3A_11 step %scan3A_12  : i32 {
      "tpu.region"() ({
        %run_scoped3A = tpu.sem_alloc : memref<!tpu.dma_semaphore, #tpu.memory_space<semaphore_mem>>
        %dma_start3A = arith.constant 0 : i32
        %dma_start3A_20 = tpu.memref_slice %arg8[%scan3A_19, %dma_start3A] : memref<80x128xi32, #tpu.memory_space<vmem>> -> memref<1x128xi32, #tpu.memory_space<vmem>>
        %dma_start3A_21 = tpu.memref_squeeze %dma_start3A_20 : memref<1x128xi32, #tpu.memory_space<vmem>> -> memref<128xi32, #tpu.memory_space<vmem>>
        %dma_start3A_22 = arith.constant 0 : i32
        %dma_start3A_23 = tpu.memref_slice %arg11[%dma_start3A_22] : memref<10240xf32, #tpu.memory_space<vmem_shared>> -> memref<10240xf32, #tpu.memory_space<vmem_shared>>
        tpu.enqueue_indirect_dma source(%dma_start3A_23 : memref<10240xf32, #tpu.memory_space<vmem_shared>>) target(%arg9 : memref<128xf32, #tpu.memory_space<vmem>>) offsets(%dma_start3A_21 : memref<128xi32, #tpu.memory_space<vmem>>) semaphore(%run_scoped3A : memref<!tpu.dma_semaphore, #tpu.memory_space<semaphore_mem>>)
        %dma_wait3A = arith.constant 0 : i32
        %dma_wait3A_24 = tpu.memref_slice %arg8[%scan3A_19, %dma_wait3A] : memref<80x128xi32, #tpu.memory_space<vmem>> -> memref<1x128xi32, #tpu.memory_space<vmem>>
        %dma_wait3A_25 = tpu.memref_squeeze %dma_wait3A_24 : memref<1x128xi32, #tpu.memory_space<vmem>> -> memref<128xi32, #tpu.memory_space<vmem>>
        %dma_wait3A_26 = arith.constant 0 : i32
        %dma_wait3A_27 = tpu.memref_slice %arg11[%dma_wait3A_26] : memref<10240xf32, #tpu.memory_space<vmem_shared>> -> memref<10240xf32, #tpu.memory_space<vmem_shared>>
        tpu.wait_indirect_dma semaphore(%run_scoped3A : memref<!tpu.dma_semaphore, #tpu.memory_space<semaphore_mem>>) src(%dma_wait3A_27 : memref<10240xf32, #tpu.memory_space<vmem_shared>>) dst(%arg9 : memref<128xf32, #tpu.memory_space<vmem>>)
        tpu.yield
      }) : () -> ()
      "tpu.region"() ({
        %run_scoped3A = tpu.sem_alloc : memref<!tpu.dma_semaphore, #tpu.memory_space<semaphore_mem>>
        %dma_start3A = arith.constant 0 : i32
        %dma_start3A_20 = tpu.memref_slice %arg7[%scan3A_19, %dma_start3A] : memref<80x128xi32, #tpu.memory_space<vmem>> -> memref<1x128xi32, #tpu.memory_space<vmem>>
        %dma_start3A_21 = tpu.memref_squeeze %dma_start3A_20 : memref<1x128xi32, #tpu.memory_space<vmem>> -> memref<128xi32, #tpu.memory_space<vmem>>
        %dma_start3A_22 = arith.constant 0 : i32
        %dma_start3A_23 = tpu.memref_slice %arg10[%dma_start3A_22] : memref<10240xf32, #tpu.memory_space<vmem_shared>> -> memref<10240xf32, #tpu.memory_space<vmem_shared>>
        tpu.enqueue_indirect_dma source(%arg9 : memref<128xf32, #tpu.memory_space<vmem>>) target(%dma_start3A_23 : memref<10240xf32, #tpu.memory_space<vmem_shared>>) offsets(%dma_start3A_21 : memref<128xi32, #tpu.memory_space<vmem>>) semaphore(%run_scoped3A : memref<!tpu.dma_semaphore, #tpu.memory_space<semaphore_mem>>) {add = true}
        %dma_wait3A = arith.constant 0 : i32
        %dma_wait3A_24 = tpu.memref_slice %arg7[%scan3A_19, %dma_wait3A] : memref<80x128xi32, #tpu.memory_space<vmem>> -> memref<1x128xi32, #tpu.memory_space<vmem>>
        %dma_wait3A_25 = tpu.memref_squeeze %dma_wait3A_24 : memref<1x128xi32, #tpu.memory_space<vmem>> -> memref<128xi32, #tpu.memory_space<vmem>>
        %dma_wait3A_26 = arith.constant 0 : i32
        %dma_wait3A_27 = tpu.memref_slice %arg10[%dma_wait3A_26] : memref<10240xf32, #tpu.memory_space<vmem_shared>> -> memref<10240xf32, #tpu.memory_space<vmem_shared>>
        tpu.wait_indirect_dma semaphore(%run_scoped3A : memref<!tpu.dma_semaphore, #tpu.memory_space<semaphore_mem>>) src(%arg9 : memref<128xf32, #tpu.memory_space<vmem>>) dst(%dma_wait3A_27 : memref<10240xf32, #tpu.memory_space<vmem_shared>>)
        tpu.yield
      }) : () -> ()
    }
    %scan3A_13 = arith.constant 80 : i32
    %barrier3A_14 = arith.constant 0 : index
    tpu.barrier barrier_id(%barrier3A_14)
    %mul3A_15 = arith.constant 640 : i32
    %mul3A_16 = arith.muli %arg1, %mul3A_15 : i32
    %mul3A_17 = arith.constant 640 : i32
    %mul3A_18 = arith.muli %arg1, %mul3A_17 : i32
    "tpu.region"() ({
      %run_scoped3A = tpu.sem_alloc : memref<!tpu.dma_semaphore, #tpu.memory_space<semaphore_mem>>
      %dma_start3A = tpu.memref_slice %arg6[%arg0, %mul3A_18] : memref<2x10240xf32, #tpu.memory_space<hbm>> -> memref<1x640xf32, #tpu.memory_space<hbm>>
      %dma_start3A_19 = tpu.memref_squeeze %dma_start3A : memref<1x640xf32, #tpu.memory_space<hbm>> -> memref<640xf32, #tpu.memory_space<hbm>>
      %dma_start3A_20 = tpu.memref_slice %arg10[%mul3A_16] : memref<10240xf32, #tpu.memory_space<vmem_shared>> -> memref<640xf32, #tpu.memory_space<vmem_shared>>
      tpu.enqueue_dma source(%dma_start3A_20 : memref<640xf32, #tpu.memory_space<vmem_shared>>) target(%dma_start3A_19 : memref<640xf32, #tpu.memory_space<hbm>>) target_semaphore(%run_scoped3A : memref<!tpu.dma_semaphore, #tpu.memory_space<semaphore_mem>>)
      %dma_wait3A = tpu.memref_slice %arg6[%arg0, %mul3A_18] : memref<2x10240xf32, #tpu.memory_space<hbm>> -> memref<1x640xf32, #tpu.memory_space<hbm>>
      %dma_wait3A_21 = tpu.memref_squeeze %dma_wait3A : memref<1x640xf32, #tpu.memory_space<hbm>> -> memref<640xf32, #tpu.memory_space<hbm>>
      %dma_wait3A_22 = tpu.memref_slice %arg10[%mul3A_16] : memref<10240xf32, #tpu.memory_space<vmem_shared>> -> memref<640xf32, #tpu.memory_space<vmem_shared>>
      tpu.wait_dma2 semaphore(%run_scoped3A : memref<!tpu.dma_semaphore, #tpu.memory_space<semaphore_mem>>) src(%dma_wait3A_22 : memref<640xf32, #tpu.memory_space<vmem_shared>>) dst(%dma_wait3A_21 : memref<640xf32, #tpu.memory_space<hbm>>)
      tpu.yield
    }) : () -> ()
    return
  }
}

#map = affine_map<(d0, d1) -> (0)>
#map1 = affine_map<(d0, d1) -> (0, 0, 0)>
#map2 = affine_map<(d0, d1) -> (0, 0)>
module attributes {stable_mosaic.version = 14 : i64} {
  func.func @sc_agg_el(%arg0: i32, %arg1: i32, %arg2: memref<327680xf32, #tpu.memory_space<hbm>>, %arg3: memref<512x160x128xi32, #tpu.memory_space<hbm>>, %arg4: memref<512x160x128xi32, #tpu.memory_space<hbm>>, %arg5: memref<327680xf32, #tpu.memory_space<hbm>>, %arg6: memref<2x327680xf32, #tpu.memory_space<hbm>>, %arg7: memref<160x128xi32, #tpu.memory_space<vmem>>, %arg8: memref<160x128xi32, #tpu.memory_space<vmem>>, %arg9: memref<128xf32, #tpu.memory_space<vmem>>, %arg10: memref<327680xf32, #tpu.memory_space<vmem_shared>>, %arg11: memref<327680xf32, #tpu.memory_space<vmem_shared>>) attributes {dimension_semantics = [#tpu.dimension_semantics<core_parallel>, #tpu.dimension_semantics<subcore_parallel>], iteration_bounds = array<i64: 2, 16>, scalar_prefetch = 0 : i64, scratch_operands = 5 : i64, tpu.core_type = #tpu.core_type<sc_vector_subcore>, window_params = [{transform_indices = #map}, {transform_indices = #map1}, {transform_indices = #map1}, {transform_indices = #map}, {transform_indices = #map2}]} {
    %mul3A = arith.constant 2 : i32
    %mul3A_0 = arith.muli %arg1, %mul3A : i32
    %add3A = arith.addi %mul3A_0, %arg0 : i32
    %mul3A_1 = arith.constant 20480 : i32
    %mul3A_2 = arith.muli %arg1, %mul3A_1 : i32
    %mul3A_3 = arith.constant 20480 : i32
    %mul3A_4 = arith.muli %arg1, %mul3A_3 : i32
    "tpu.region"() ({
      %run_scoped3A = tpu.sem_alloc : memref<!tpu.dma_semaphore, #tpu.memory_space<semaphore_mem>>
      %dma_start3A = tpu.memref_slice %arg10[%mul3A_4] : memref<327680xf32, #tpu.memory_space<vmem_shared>> -> memref<20480xf32, #tpu.memory_space<vmem_shared>>
      %dma_start3A_19 = tpu.memref_slice %arg5[%mul3A_2] : memref<327680xf32, #tpu.memory_space<hbm>> -> memref<20480xf32, #tpu.memory_space<hbm>>
      tpu.enqueue_dma source(%dma_start3A_19 : memref<20480xf32, #tpu.memory_space<hbm>>) target(%dma_start3A : memref<20480xf32, #tpu.memory_space<vmem_shared>>) target_semaphore(%run_scoped3A : memref<!tpu.dma_semaphore, #tpu.memory_space<semaphore_mem>>)
      %dma_wait3A = tpu.memref_slice %arg10[%mul3A_4] : memref<327680xf32, #tpu.memory_space<vmem_shared>> -> memref<20480xf32, #tpu.memory_space<vmem_shared>>
      %dma_wait3A_20 = tpu.memref_slice %arg5[%mul3A_2] : memref<327680xf32, #tpu.memory_space<hbm>> -> memref<20480xf32, #tpu.memory_space<hbm>>
      tpu.wait_dma2 semaphore(%run_scoped3A : memref<!tpu.dma_semaphore, #tpu.memory_space<semaphore_mem>>) src(%dma_wait3A_20 : memref<20480xf32, #tpu.memory_space<hbm>>) dst(%dma_wait3A : memref<20480xf32, #tpu.memory_space<vmem_shared>>)
      tpu.yield
    }) : () -> ()
    %mul3A_5 = arith.constant 20480 : i32
    %mul3A_6 = arith.muli %arg1, %mul3A_5 : i32
    %mul3A_7 = arith.constant 20480 : i32
    %mul3A_8 = arith.muli %arg1, %mul3A_7 : i32
    "tpu.region"() ({
      %run_scoped3A = tpu.sem_alloc : memref<!tpu.dma_semaphore, #tpu.memory_space<semaphore_mem>>
      %dma_start3A = tpu.memref_slice %arg11[%mul3A_8] : memref<327680xf32, #tpu.memory_space<vmem_shared>> -> memref<20480xf32, #tpu.memory_space<vmem_shared>>
      %dma_start3A_19 = tpu.memref_slice %arg2[%mul3A_6] : memref<327680xf32, #tpu.memory_space<hbm>> -> memref<20480xf32, #tpu.memory_space<hbm>>
      tpu.enqueue_dma source(%dma_start3A_19 : memref<20480xf32, #tpu.memory_space<hbm>>) target(%dma_start3A : memref<20480xf32, #tpu.memory_space<vmem_shared>>) target_semaphore(%run_scoped3A : memref<!tpu.dma_semaphore, #tpu.memory_space<semaphore_mem>>)
      %dma_wait3A = tpu.memref_slice %arg11[%mul3A_8] : memref<327680xf32, #tpu.memory_space<vmem_shared>> -> memref<20480xf32, #tpu.memory_space<vmem_shared>>
      %dma_wait3A_20 = tpu.memref_slice %arg2[%mul3A_6] : memref<327680xf32, #tpu.memory_space<hbm>> -> memref<20480xf32, #tpu.memory_space<hbm>>
      tpu.wait_dma2 semaphore(%run_scoped3A : memref<!tpu.dma_semaphore, #tpu.memory_space<semaphore_mem>>) src(%dma_wait3A_20 : memref<20480xf32, #tpu.memory_space<hbm>>) dst(%dma_wait3A : memref<20480xf32, #tpu.memory_space<vmem_shared>>)
      tpu.yield
    }) : () -> ()
    %barrier3A = arith.constant 0 : index
    tpu.barrier barrier_id(%barrier3A)
    %scan3A = arith.constant 0 : i32
    %scan3A_9 = arith.constant 0 : i32
    %scan3A_10 = arith.constant 16 : i32
    %scan3A_11 = arith.addi %scan3A_9, %scan3A_10 : i32
    %scan3A_12 = arith.constant 1 : i32
    scf.for %scan3A_19 = %scan3A_9 to %scan3A_11 step %scan3A_12  : i32 {
      %mul3A_20 = arith.constant 16 : i32
      %mul3A_21 = arith.muli %add3A, %mul3A_20 : i32
      %add3A_22 = arith.addi %mul3A_21, %scan3A_19 : i32
      "tpu.region"() ({
        %run_scoped3A = tpu.sem_alloc : memref<!tpu.dma_semaphore, #tpu.memory_space<semaphore_mem>>
        %dma_start3A = arith.constant 0 : i32
        %dma_start3A_32 = arith.constant 0 : i32
        %dma_start3A_33 = tpu.memref_slice %arg3[%add3A_22, %dma_start3A, %dma_start3A_32] : memref<512x160x128xi32, #tpu.memory_space<hbm>> -> memref<1x160x128xi32, #tpu.memory_space<hbm>>
        %dma_start3A_34 = tpu.memref_squeeze %dma_start3A_33 : memref<1x160x128xi32, #tpu.memory_space<hbm>> -> memref<160x128xi32, #tpu.memory_space<hbm>>
        %dma_start3A_35 = arith.constant 0 : i32
        %dma_start3A_36 = arith.constant 0 : i32
        %dma_start3A_37 = tpu.memref_slice %arg3[%add3A_22, %dma_start3A_35, %dma_start3A_36] : memref<512x160x128xi32, #tpu.memory_space<hbm>> -> memref<1x160x128xi32, #tpu.memory_space<hbm>>
        %dma_start3A_38 = tpu.memref_squeeze %dma_start3A_37 : memref<1x160x128xi32, #tpu.memory_space<hbm>> -> memref<160x128xi32, #tpu.memory_space<hbm>>
        tpu.enqueue_dma source(%dma_start3A_38 : memref<160x128xi32, #tpu.memory_space<hbm>>) target(%arg7 : memref<160x128xi32, #tpu.memory_space<vmem>>) target_semaphore(%run_scoped3A : memref<!tpu.dma_semaphore, #tpu.memory_space<semaphore_mem>>)
        %dma_wait3A = arith.constant 0 : i32
        %dma_wait3A_39 = arith.constant 0 : i32
        %dma_wait3A_40 = tpu.memref_slice %arg3[%add3A_22, %dma_wait3A, %dma_wait3A_39] : memref<512x160x128xi32, #tpu.memory_space<hbm>> -> memref<1x160x128xi32, #tpu.memory_space<hbm>>
        %dma_wait3A_41 = tpu.memref_squeeze %dma_wait3A_40 : memref<1x160x128xi32, #tpu.memory_space<hbm>> -> memref<160x128xi32, #tpu.memory_space<hbm>>
        %dma_wait3A_42 = arith.constant 0 : i32
        %dma_wait3A_43 = arith.constant 0 : i32
        %dma_wait3A_44 = tpu.memref_slice %arg3[%add3A_22, %dma_wait3A_42, %dma_wait3A_43] : memref<512x160x128xi32, #tpu.memory_space<hbm>> -> memref<1x160x128xi32, #tpu.memory_space<hbm>>
        %dma_wait3A_45 = tpu.memref_squeeze %dma_wait3A_44 : memref<1x160x128xi32, #tpu.memory_space<hbm>> -> memref<160x128xi32, #tpu.memory_space<hbm>>
        tpu.wait_dma2 semaphore(%run_scoped3A : memref<!tpu.dma_semaphore, #tpu.memory_space<semaphore_mem>>) src(%dma_wait3A_45 : memref<160x128xi32, #tpu.memory_space<hbm>>) dst(%arg7 : memref<160x128xi32, #tpu.memory_space<vmem>>)
        tpu.yield
      }) : () -> ()
      %mul3A_23 = arith.constant 16 : i32
      %mul3A_24 = arith.muli %add3A, %mul3A_23 : i32
      %add3A_25 = arith.addi %mul3A_24, %scan3A_19 : i32
      "tpu.region"() ({
        %run_scoped3A = tpu.sem_alloc : memref<!tpu.dma_semaphore, #tpu.memory_space<semaphore_mem>>
        %dma_start3A = arith.constant 0 : i32
        %dma_start3A_32 = arith.constant 0 : i32
        %dma_start3A_33 = tpu.memref_slice %arg4[%add3A_25, %dma_start3A, %dma_start3A_32] : memref<512x160x128xi32, #tpu.memory_space<hbm>> -> memref<1x160x128xi32, #tpu.memory_space<hbm>>
        %dma_start3A_34 = tpu.memref_squeeze %dma_start3A_33 : memref<1x160x128xi32, #tpu.memory_space<hbm>> -> memref<160x128xi32, #tpu.memory_space<hbm>>
        %dma_start3A_35 = arith.constant 0 : i32
        %dma_start3A_36 = arith.constant 0 : i32
        %dma_start3A_37 = tpu.memref_slice %arg4[%add3A_25, %dma_start3A_35, %dma_start3A_36] : memref<512x160x128xi32, #tpu.memory_space<hbm>> -> memref<1x160x128xi32, #tpu.memory_space<hbm>>
        %dma_start3A_38 = tpu.memref_squeeze %dma_start3A_37 : memref<1x160x128xi32, #tpu.memory_space<hbm>> -> memref<160x128xi32, #tpu.memory_space<hbm>>
        tpu.enqueue_dma source(%dma_start3A_38 : memref<160x128xi32, #tpu.memory_space<hbm>>) target(%arg8 : memref<160x128xi32, #tpu.memory_space<vmem>>) target_semaphore(%run_scoped3A : memref<!tpu.dma_semaphore, #tpu.memory_space<semaphore_mem>>)
        %dma_wait3A = arith.constant 0 : i32
        %dma_wait3A_39 = arith.constant 0 : i32
        %dma_wait3A_40 = tpu.memref_slice %arg4[%add3A_25, %dma_wait3A, %dma_wait3A_39] : memref<512x160x128xi32, #tpu.memory_space<hbm>> -> memref<1x160x128xi32, #tpu.memory_space<hbm>>
        %dma_wait3A_41 = tpu.memref_squeeze %dma_wait3A_40 : memref<1x160x128xi32, #tpu.memory_space<hbm>> -> memref<160x128xi32, #tpu.memory_space<hbm>>
        %dma_wait3A_42 = arith.constant 0 : i32
        %dma_wait3A_43 = arith.constant 0 : i32
        %dma_wait3A_44 = tpu.memref_slice %arg4[%add3A_25, %dma_wait3A_42, %dma_wait3A_43] : memref<512x160x128xi32, #tpu.memory_space<hbm>> -> memref<1x160x128xi32, #tpu.memory_space<hbm>>
        %dma_wait3A_45 = tpu.memref_squeeze %dma_wait3A_44 : memref<1x160x128xi32, #tpu.memory_space<hbm>> -> memref<160x128xi32, #tpu.memory_space<hbm>>
        tpu.wait_dma2 semaphore(%run_scoped3A : memref<!tpu.dma_semaphore, #tpu.memory_space<semaphore_mem>>) src(%dma_wait3A_45 : memref<160x128xi32, #tpu.memory_space<hbm>>) dst(%arg8 : memref<160x128xi32, #tpu.memory_space<vmem>>)
        tpu.yield
      }) : () -> ()
      %scan3A_26 = arith.constant 0 : i32
      %scan3A_27 = arith.constant 0 : i32
      %scan3A_28 = arith.constant 160 : i32
      %scan3A_29 = arith.addi %scan3A_27, %scan3A_28 : i32
      %scan3A_30 = arith.constant 1 : i32
      scf.for %scan3A_32 = %scan3A_27 to %scan3A_29 step %scan3A_30  : i32 {
        "tpu.region"() ({
          %run_scoped3A = tpu.sem_alloc : memref<!tpu.dma_semaphore, #tpu.memory_space<semaphore_mem>>
          %dma_start3A = arith.constant 0 : i32
          %dma_start3A_33 = tpu.memref_slice %arg7[%scan3A_32, %dma_start3A] : memref<160x128xi32, #tpu.memory_space<vmem>> -> memref<1x128xi32, #tpu.memory_space<vmem>>
          %dma_start3A_34 = tpu.memref_squeeze %dma_start3A_33 : memref<1x128xi32, #tpu.memory_space<vmem>> -> memref<128xi32, #tpu.memory_space<vmem>>
          %dma_start3A_35 = arith.constant 0 : i32
          %dma_start3A_36 = tpu.memref_slice %arg11[%dma_start3A_35] : memref<327680xf32, #tpu.memory_space<vmem_shared>> -> memref<327680xf32, #tpu.memory_space<vmem_shared>>
          tpu.enqueue_indirect_dma source(%dma_start3A_36 : memref<327680xf32, #tpu.memory_space<vmem_shared>>) target(%arg9 : memref<128xf32, #tpu.memory_space<vmem>>) offsets(%dma_start3A_34 : memref<128xi32, #tpu.memory_space<vmem>>) semaphore(%run_scoped3A : memref<!tpu.dma_semaphore, #tpu.memory_space<semaphore_mem>>)
          %dma_wait3A = arith.constant 0 : i32
          %dma_wait3A_37 = tpu.memref_slice %arg7[%scan3A_32, %dma_wait3A] : memref<160x128xi32, #tpu.memory_space<vmem>> -> memref<1x128xi32, #tpu.memory_space<vmem>>
          %dma_wait3A_38 = tpu.memref_squeeze %dma_wait3A_37 : memref<1x128xi32, #tpu.memory_space<vmem>> -> memref<128xi32, #tpu.memory_space<vmem>>
          %dma_wait3A_39 = arith.constant 0 : i32
          %dma_wait3A_40 = tpu.memref_slice %arg11[%dma_wait3A_39] : memref<327680xf32, #tpu.memory_space<vmem_shared>> -> memref<327680xf32, #tpu.memory_space<vmem_shared>>
          tpu.wait_indirect_dma semaphore(%run_scoped3A : memref<!tpu.dma_semaphore, #tpu.memory_space<semaphore_mem>>) src(%dma_wait3A_40 : memref<327680xf32, #tpu.memory_space<vmem_shared>>) dst(%arg9 : memref<128xf32, #tpu.memory_space<vmem>>)
          tpu.yield
        }) : () -> ()
        "tpu.region"() ({
          %run_scoped3A = tpu.sem_alloc : memref<!tpu.dma_semaphore, #tpu.memory_space<semaphore_mem>>
          %dma_start3A = arith.constant 0 : i32
          %dma_start3A_33 = tpu.memref_slice %arg8[%scan3A_32, %dma_start3A] : memref<160x128xi32, #tpu.memory_space<vmem>> -> memref<1x128xi32, #tpu.memory_space<vmem>>
          %dma_start3A_34 = tpu.memref_squeeze %dma_start3A_33 : memref<1x128xi32, #tpu.memory_space<vmem>> -> memref<128xi32, #tpu.memory_space<vmem>>
          %dma_start3A_35 = arith.constant 0 : i32
          %dma_start3A_36 = tpu.memref_slice %arg10[%dma_start3A_35] : memref<327680xf32, #tpu.memory_space<vmem_shared>> -> memref<327680xf32, #tpu.memory_space<vmem_shared>>
          tpu.enqueue_indirect_dma source(%arg9 : memref<128xf32, #tpu.memory_space<vmem>>) target(%dma_start3A_36 : memref<327680xf32, #tpu.memory_space<vmem_shared>>) offsets(%dma_start3A_34 : memref<128xi32, #tpu.memory_space<vmem>>) semaphore(%run_scoped3A : memref<!tpu.dma_semaphore, #tpu.memory_space<semaphore_mem>>) {add = true}
          %dma_wait3A = arith.constant 0 : i32
          %dma_wait3A_37 = tpu.memref_slice %arg8[%scan3A_32, %dma_wait3A] : memref<160x128xi32, #tpu.memory_space<vmem>> -> memref<1x128xi32, #tpu.memory_space<vmem>>
          %dma_wait3A_38 = tpu.memref_squeeze %dma_wait3A_37 : memref<1x128xi32, #tpu.memory_space<vmem>> -> memref<128xi32, #tpu.memory_space<vmem>>
          %dma_wait3A_39 = arith.constant 0 : i32
          %dma_wait3A_40 = tpu.memref_slice %arg10[%dma_wait3A_39] : memref<327680xf32, #tpu.memory_space<vmem_shared>> -> memref<327680xf32, #tpu.memory_space<vmem_shared>>
          tpu.wait_indirect_dma semaphore(%run_scoped3A : memref<!tpu.dma_semaphore, #tpu.memory_space<semaphore_mem>>) src(%arg9 : memref<128xf32, #tpu.memory_space<vmem>>) dst(%dma_wait3A_40 : memref<327680xf32, #tpu.memory_space<vmem_shared>>)
          tpu.yield
        }) : () -> ()
      }
      %scan3A_31 = arith.constant 160 : i32
    }
    %scan3A_13 = arith.constant 16 : i32
    %barrier3A_14 = arith.constant 0 : index
    tpu.barrier barrier_id(%barrier3A_14)
    %mul3A_15 = arith.constant 20480 : i32
    %mul3A_16 = arith.muli %arg1, %mul3A_15 : i32
    %mul3A_17 = arith.constant 20480 : i32
    %mul3A_18 = arith.muli %arg1, %mul3A_17 : i32
    "tpu.region"() ({
      %run_scoped3A = tpu.sem_alloc : memref<!tpu.dma_semaphore, #tpu.memory_space<semaphore_mem>>
      %dma_start3A = tpu.memref_slice %arg6[%arg0, %mul3A_18] : memref<2x327680xf32, #tpu.memory_space<hbm>> -> memref<1x20480xf32, #tpu.memory_space<hbm>>
      %dma_start3A_19 = tpu.memref_squeeze %dma_start3A : memref<1x20480xf32, #tpu.memory_space<hbm>> -> memref<20480xf32, #tpu.memory_space<hbm>>
      %dma_start3A_20 = tpu.memref_slice %arg10[%mul3A_16] : memref<327680xf32, #tpu.memory_space<vmem_shared>> -> memref<20480xf32, #tpu.memory_space<vmem_shared>>
      tpu.enqueue_dma source(%dma_start3A_20 : memref<20480xf32, #tpu.memory_space<vmem_shared>>) target(%dma_start3A_19 : memref<20480xf32, #tpu.memory_space<hbm>>) target_semaphore(%run_scoped3A : memref<!tpu.dma_semaphore, #tpu.memory_space<semaphore_mem>>)
      %dma_wait3A = tpu.memref_slice %arg6[%arg0, %mul3A_18] : memref<2x327680xf32, #tpu.memory_space<hbm>> -> memref<1x20480xf32, #tpu.memory_space<hbm>>
      %dma_wait3A_21 = tpu.memref_squeeze %dma_wait3A : memref<1x20480xf32, #tpu.memory_space<hbm>> -> memref<20480xf32, #tpu.memory_space<hbm>>
      %dma_wait3A_22 = tpu.memref_slice %arg10[%mul3A_16] : memref<327680xf32, #tpu.memory_space<vmem_shared>> -> memref<20480xf32, #tpu.memory_space<vmem_shared>>
      tpu.wait_dma2 semaphore(%run_scoped3A : memref<!tpu.dma_semaphore, #tpu.memory_space<semaphore_mem>>) src(%dma_wait3A_22 : memref<20480xf32, #tpu.memory_space<vmem_shared>>) dst(%dma_wait3A_21 : memref<20480xf32, #tpu.memory_space<hbm>>)
      tpu.yield
    }) : () -> ()
    return
  }
}

module attributes {stable_mosaic.version = 14 : i64} {
  func.func @_dense1_body(%arg0: i32, %arg1: memref<128x1xf32, #tpu.memory_space<vmem>>, %arg2: memref<128x1xf32, #tpu.memory_space<vmem>>, %arg3: memref<128x128xf32, #tpu.memory_space<vmem>>, %arg4: memref<128x32xf32, #tpu.memory_space<vmem>>, %arg5: memref<128x1xf32, #tpu.memory_space<vmem>>, %arg6: memref<128x32xf32, #tpu.memory_space<vmem>>) attributes {dimension_semantics = [#tpu.dimension_semantics<arbitrary>], iteration_bounds = array<i64: 80>, scalar_prefetch = 0 : i64, scratch_operands = 0 : i64, tpu.core_type = #tpu.core_type<tc>, window_params = [{transform_indices = @transform_0, window_bounds = array<i64: 128, 1>}, {transform_indices = @transform_1, window_bounds = array<i64: 128, 1>}, {transform_indices = @transform_2, window_bounds = array<i64: 128, 128>}, {pipeline_mode = #tpu.pipeline_mode<synchronous>, transform_indices = @transform_3, window_bounds = array<i64: 128, 32>}, {transform_indices = @transform_4, window_bounds = array<i64: 128, 1>}, {transform_indices = @transform_5, window_bounds = array<i64: 128, 32>}]} {
    %get3A = arith.constant 0 : index
    %get3A_0 = arith.constant 0 : index
    %get3A_1 = vector.load %arg1[%get3A, %get3A_0] : memref<128x1xf32, #tpu.memory_space<vmem>>, vector<128x1xf32>
    %get3A_2 = arith.constant 0 : index
    %get3A_3 = arith.constant 0 : index
    %get3A_4 = vector.load %arg2[%get3A_2, %get3A_3] : memref<128x1xf32, #tpu.memory_space<vmem>>, vector<128x1xf32>
    %add3A = arith.addf %get3A_1, %get3A_4 : vector<128x1xf32>
    %add3A_5 = arith.constant 1.000000e+00 : f32
    %add3A_6 = vector.broadcast %add3A_5 : f32 to vector<128x1xf32>
    %add3A_7 = arith.addf %add3A, %add3A_6 : vector<128x1xf32>
    %iota3A = tpu.iota {dimensions = array<i32: 0>} : vector<128x1xi32>
    %mul3A = arith.constant 128 : i32
    %mul3A_8 = arith.muli %arg0, %mul3A : i32
    %add3A_9 = vector.broadcast %mul3A_8 : i32 to vector<128x1xi32>
    %add3A_10 = arith.addi %iota3A, %add3A_9 : vector<128x1xi32>
    %lt3A = arith.constant 10000 : i32
    %lt3A_11 = vector.broadcast %lt3A : i32 to vector<128x1xi32>
    %lt3A_12 = arith.cmpi slt, %add3A_10, %lt3A_11 : vector<128x1xi32>
    %rsqrt3A = math.rsqrt %add3A_7 : vector<128x1xf32>
    %jit3A = arith.constant 0.000000e+00 : f32
    %broadcast_in_dim3A = vector.broadcast %jit3A : f32 to vector<128x1xf32>
    %select_n3A = arith.select %lt3A_12, %rsqrt3A, %broadcast_in_dim3A : vector<128x1xi1>, vector<128x1xf32>
    %swap3A = arith.constant 0 : index
    %swap3A_13 = arith.constant 0 : index
    %swap3A_14 = vector.load %arg5[%swap3A, %swap3A_13] : memref<128x1xf32, #tpu.memory_space<vmem>>, vector<128x1xf32>
    tpu.vector_store %arg5[%swap3A, %swap3A_13], %select_n3A {strides = array<i32>} : memref<128x1xf32, #tpu.memory_space<vmem>>, vector<128x1xf32>,
    %get3A_15 = arith.constant 0 : index
    %get3A_16 = arith.constant 0 : index
    %get3A_17 = vector.load %arg3[%get3A_15, %get3A_16] : memref<128x128xf32, #tpu.memory_space<vmem>>, vector<128x128xf32>
    %get3A_18 = arith.constant 0 : index
    %get3A_19 = arith.constant 0 : index
    %get3A_20 = vector.load %arg4[%get3A_18, %get3A_19] : memref<128x32xf32, #tpu.memory_space<vmem>>, vector<128x32xf32>
    %dot_general3A = arith.constant dense<0.000000e+00> : vector<128x32xf32>
    %dot_general3A_21 = tpu.matmul %get3A_17, %get3A_20, %dot_general3A {dimension_numbers = #tpu.dot_dimension_numbers<[1], [0], [0], [1], [0, 0, 1, 1], [], []>, transpose_lhs_hint = false} : vector<128x128xf32>, vector<128x32xf32>, vector<128x32xf32> -> vector<128x32xf32>
    %mul3A_22 = vector.broadcast %select_n3A : vector<128x1xf32> to vector<128x32xf32>
    %mul3A_23 = arith.mulf %mul3A_22, %dot_general3A_21 : vector<128x32xf32>
    %swap3A_24 = arith.constant 0 : index
    %swap3A_25 = arith.constant 0 : index
    %swap3A_26 = vector.load %arg6[%swap3A_24, %swap3A_25] : memref<128x32xf32, #tpu.memory_space<vmem>>, vector<128x32xf32>
    tpu.vector_store %arg6[%swap3A_24, %swap3A_25], %mul3A_23 {strides = array<i32>} : memref<128x32xf32, #tpu.memory_space<vmem>>, vector<128x32xf32>,
    return
  }
  func.func @transform_0(%arg0: i32) -> (i32, i32) {
    %c0_i32 = arith.constant 0 : i32
    %c0_i32_0 = arith.constant 0 : i32
    return %arg0, %c0_i32 : i32, i32
  }
  func.func @transform_1(%arg0: i32) -> (i32, i32) {
    %c0_i32 = arith.constant 0 : i32
    %c0_i32_0 = arith.constant 0 : i32
    return %arg0, %c0_i32 : i32, i32
  }
  func.func @transform_2(%arg0: i32) -> (i32, i32) {
    %c0_i32 = arith.constant 0 : i32
    %c0_i32_0 = arith.constant 0 : i32
    return %arg0, %c0_i32 : i32, i32
  }
  func.func @transform_3(%arg0: i32) -> (i32, i32) {
    %c0_i32 = arith.constant 0 : i32
    %c0_i32_0 = arith.constant 0 : i32
    %c0_i32_1 = arith.constant 0 : i32
    return %c0_i32, %c0_i32_0 : i32, i32
  }
  func.func @transform_4(%arg0: i32) -> (i32, i32) {
    %c0_i32 = arith.constant 0 : i32
    %c0_i32_0 = arith.constant 0 : i32
    return %arg0, %c0_i32 : i32, i32
  }
  func.func @transform_5(%arg0: i32) -> (i32, i32) {
    %c0_i32 = arith.constant 0 : i32
    %c0_i32_0 = arith.constant 0 : i32
    return %arg0, %c0_i32 : i32, i32
  }
}

module attributes {stable_mosaic.version = 14 : i64} {
  func.func @_layer_body(%arg0: i32, %arg1: memref<128x32xf32, #tpu.memory_space<vmem>>, %arg2: memref<128x32xf32, #tpu.memory_space<vmem>>, %arg3: memref<128x32xf32, #tpu.memory_space<vmem>>, %arg4: memref<128x1xf32, #tpu.memory_space<vmem>>, %arg5: memref<1x32xf32, #tpu.memory_space<vmem>>, %arg6: memref<32x32xf32, #tpu.memory_space<vmem>>, %arg7: memref<128x32xf32, #tpu.memory_space<vmem>>) attributes {dimension_semantics = [#tpu.dimension_semantics<arbitrary>], iteration_bounds = array<i64: 80>, scalar_prefetch = 0 : i64, scratch_operands = 0 : i64, tpu.core_type = #tpu.core_type<tc>, window_params = [{transform_indices = @transform_0, window_bounds = array<i64: 128, 32>}, {transform_indices = @transform_1, window_bounds = array<i64: 128, 32>}, {transform_indices = @transform_2, window_bounds = array<i64: 128, 32>}, {transform_indices = @transform_3, window_bounds = array<i64: 128, 1>}, {pipeline_mode = #tpu.pipeline_mode<synchronous>, transform_indices = @transform_4, window_bounds = array<i64: 1, 32>}, {pipeline_mode = #tpu.pipeline_mode<synchronous>, transform_indices = @transform_5, window_bounds = array<i64: 32, 32>}, {transform_indices = @transform_6, window_bounds = array<i64: 128, 32>}]} {
    %get3A = arith.constant 0 : index
    %get3A_0 = arith.constant 0 : index
    %get3A_1 = vector.load %arg4[%get3A, %get3A_0] : memref<128x1xf32, #tpu.memory_space<vmem>>, vector<128x1xf32>
    %get3A_2 = arith.constant 0 : index
    %get3A_3 = arith.constant 0 : index
    %get3A_4 = vector.load %arg1[%get3A_2, %get3A_3] : memref<128x32xf32, #tpu.memory_space<vmem>>, vector<128x32xf32>
    %get3A_5 = arith.constant 0 : index
    %get3A_6 = arith.constant 0 : index
    %get3A_7 = vector.load %arg2[%get3A_5, %get3A_6] : memref<128x32xf32, #tpu.memory_space<vmem>>, vector<128x32xf32>
    %add3A = arith.addf %get3A_4, %get3A_7 : vector<128x32xf32>
    %get3A_8 = arith.constant 0 : index
    %get3A_9 = arith.constant 0 : index
    %get3A_10 = vector.load %arg3[%get3A_8, %get3A_9] : memref<128x32xf32, #tpu.memory_space<vmem>>, vector<128x32xf32>
    %add3A_11 = arith.addf %add3A, %get3A_10 : vector<128x32xf32>
    %mul3A = vector.broadcast %get3A_1 : vector<128x1xf32> to vector<128x32xf32>
    %mul3A_12 = arith.mulf %mul3A, %add3A_11 : vector<128x32xf32>
    %get3A_13 = arith.constant 0 : index
    %get3A_14 = arith.constant 0 : index
    %get3A_15 = vector.load %arg5[%get3A_13, %get3A_14] : memref<1x32xf32, #tpu.memory_space<vmem>>, vector<1x32xf32>
    %add3A_16 = vector.broadcast %get3A_15 : vector<1x32xf32> to vector<128x32xf32>
    %add3A_17 = arith.addf %mul3A_12, %add3A_16 : vector<128x32xf32>
    %max3A = arith.constant 0.000000e+00 : f32
    %max3A_18 = vector.broadcast %max3A : f32 to vector<128x32xf32>
    %max3A_19 = arith.maximumf %add3A_17, %max3A_18 : vector<128x32xf32>
    %get3A_20 = arith.constant 0 : index
    %get3A_21 = arith.constant 0 : index
    %get3A_22 = vector.load %arg6[%get3A_20, %get3A_21] : memref<32x32xf32, #tpu.memory_space<vmem>>, vector<32x32xf32>
    %dot_general3A = arith.constant dense<0.000000e+00> : vector<128x32xf32>
    %dot_general3A_23 = tpu.matmul %max3A_19, %get3A_22, %dot_general3A {dimension_numbers = #tpu.dot_dimension_numbers<[1], [0], [0], [1], [0, 0, 1, 1], [], []>, transpose_lhs_hint = false} : vector<128x32xf32>, vector<32x32xf32>, vector<128x32xf32> -> vector<128x32xf32>
    %mul3A_24 = vector.broadcast %get3A_1 : vector<128x1xf32> to vector<128x32xf32>
    %mul3A_25 = arith.mulf %mul3A_24, %dot_general3A_23 : vector<128x32xf32>
    %swap3A = arith.constant 0 : index
    %swap3A_26 = arith.constant 0 : index
    %swap3A_27 = vector.load %arg7[%swap3A, %swap3A_26] : memref<128x32xf32, #tpu.memory_space<vmem>>, vector<128x32xf32>
    tpu.vector_store %arg7[%swap3A, %swap3A_26], %mul3A_25 {strides = array<i32>} : memref<128x32xf32, #tpu.memory_space<vmem>>, vector<128x32xf32>,
    return
  }
  func.func @transform_0(%arg0: i32) -> (i32, i32) {
    %c0_i32 = arith.constant 0 : i32
    %c0_i32_0 = arith.constant 0 : i32
    return %arg0, %c0_i32 : i32, i32
  }
  func.func @transform_1(%arg0: i32) -> (i32, i32) {
    %c0_i32 = arith.constant 0 : i32
    %c0_i32_0 = arith.constant 0 : i32
    return %arg0, %c0_i32 : i32, i32
  }
  func.func @transform_2(%arg0: i32) -> (i32, i32) {
    %c0_i32 = arith.constant 0 : i32
    %c0_i32_0 = arith.constant 0 : i32
    return %arg0, %c0_i32 : i32, i32
  }
  func.func @transform_3(%arg0: i32) -> (i32, i32) {
    %c0_i32 = arith.constant 0 : i32
    %c0_i32_0 = arith.constant 0 : i32
    return %arg0, %c0_i32 : i32, i32
  }
  func.func @transform_4(%arg0: i32) -> (i32, i32) {
    %c0_i32 = arith.constant 0 : i32
    %c0_i32_0 = arith.constant 0 : i32
    %c0_i32_1 = arith.constant 0 : i32
    return %c0_i32, %c0_i32_0 : i32, i32
  }
  func.func @transform_5(%arg0: i32) -> (i32, i32) {
    %c0_i32 = arith.constant 0 : i32
    %c0_i32_0 = arith.constant 0 : i32
    %c0_i32_1 = arith.constant 0 : i32
    return %c0_i32, %c0_i32_0 : i32, i32
  }
  func.func @transform_6(%arg0: i32) -> (i32, i32) {
    %c0_i32 = arith.constant 0 : i32
    %c0_i32_0 = arith.constant 0 : i32
    return %arg0, %c0_i32 : i32, i32
  }
}

module attributes {stable_mosaic.version = 14 : i64} {
  func.func @_head_body(%arg0: i32, %arg1: memref<128x32xf32, #tpu.memory_space<vmem>>, %arg2: memref<128x32xf32, #tpu.memory_space<vmem>>, %arg3: memref<128x32xf32, #tpu.memory_space<vmem>>, %arg4: memref<128x1xf32, #tpu.memory_space<vmem>>, %arg5: memref<128x1xf32, #tpu.memory_space<vmem>>, %arg6: memref<128x1xf32, #tpu.memory_space<vmem>>, %arg7: memref<1x32xf32, #tpu.memory_space<vmem>>, %arg8: memref<1x32xf32, #tpu.memory_space<vmem>>, %arg9: memref<32x32xf32, #tpu.memory_space<vmem>>, %arg10: memref<32x3xf32, #tpu.memory_space<vmem>>, %arg11: memref<1x3xf32, #tpu.memory_space<vmem>>, %arg12: memref<1x3xf32, #tpu.memory_space<vmem>>, %arg13: memref<1x32xf32, #tpu.memory_space<vmem>>) attributes {dimension_semantics = [#tpu.dimension_semantics<arbitrary>], iteration_bounds = array<i64: 80>, scalar_prefetch = 0 : i64, scratch_operands = 1 : i64, tpu.core_type = #tpu.core_type<tc>, window_params = [{transform_indices = @transform_0, window_bounds = array<i64: 128, 32>}, {transform_indices = @transform_1, window_bounds = array<i64: 128, 32>}, {transform_indices = @transform_2, window_bounds = array<i64: 128, 32>}, {transform_indices = @transform_3, window_bounds = array<i64: 128, 1>}, {transform_indices = @transform_4, window_bounds = array<i64: 128, 1>}, {transform_indices = @transform_5, window_bounds = array<i64: 128, 1>}, {pipeline_mode = #tpu.pipeline_mode<synchronous>, transform_indices = @transform_6, window_bounds = array<i64: 1, 32>}, {pipeline_mode = #tpu.pipeline_mode<synchronous>, transform_indices = @transform_7, window_bounds = array<i64: 1, 32>}, {pipeline_mode = #tpu.pipeline_mode<synchronous>, transform_indices = @transform_8, window_bounds = array<i64: 32, 32>}, {pipeline_mode = #tpu.pipeline_mode<synchronous>, transform_indices = @transform_9, window_bounds = array<i64: 32, 3>}, {pipeline_mode = #tpu.pipeline_mode<synchronous>, transform_indices = @transform_10, window_bounds = array<i64: 1, 3>}, {pipeline_mode = #tpu.pipeline_mode<synchronous>, transform_indices = @transform_11, window_bounds = array<i64: 1, 3>}]} {
    %get3A = arith.constant 0 : index
    %get3A_0 = arith.constant 0 : index
    %get3A_1 = vector.load %arg4[%get3A, %get3A_0] : memref<128x1xf32, #tpu.memory_space<vmem>>, vector<128x1xf32>
    %get3A_2 = arith.constant 0 : index
    %get3A_3 = arith.constant 0 : index
    %get3A_4 = vector.load %arg1[%get3A_2, %get3A_3] : memref<128x32xf32, #tpu.memory_space<vmem>>, vector<128x32xf32>
    %get3A_5 = arith.constant 0 : index
    %get3A_6 = arith.constant 0 : index
    %get3A_7 = vector.load %arg2[%get3A_5, %get3A_6] : memref<128x32xf32, #tpu.memory_space<vmem>>, vector<128x32xf32>
    %add3A = arith.addf %get3A_4, %get3A_7 : vector<128x32xf32>
    %get3A_8 = arith.constant 0 : index
    %get3A_9 = arith.constant 0 : index
    %get3A_10 = vector.load %arg3[%get3A_8, %get3A_9] : memref<128x32xf32, #tpu.memory_space<vmem>>, vector<128x32xf32>
    %add3A_11 = arith.addf %add3A, %get3A_10 : vector<128x32xf32>
    %mul3A = vector.broadcast %get3A_1 : vector<128x1xf32> to vector<128x32xf32>
    %mul3A_12 = arith.mulf %mul3A, %add3A_11 : vector<128x32xf32>
    %get3A_13 = arith.constant 0 : index
    %get3A_14 = arith.constant 0 : index
    %get3A_15 = vector.load %arg7[%get3A_13, %get3A_14] : memref<1x32xf32, #tpu.memory_space<vmem>>, vector<1x32xf32>
    %add3A_16 = vector.broadcast %get3A_15 : vector<1x32xf32> to vector<128x32xf32>
    %add3A_17 = arith.addf %mul3A_12, %add3A_16 : vector<128x32xf32>
    %max3A = arith.constant 0.000000e+00 : f32
    %max3A_18 = vector.broadcast %max3A : f32 to vector<128x32xf32>
    %max3A_19 = arith.maximumf %add3A_17, %max3A_18 : vector<128x32xf32>
    %get3A_20 = arith.constant 0 : index
    %get3A_21 = arith.constant 0 : index
    %get3A_22 = vector.load %arg5[%get3A_20, %get3A_21] : memref<128x1xf32, #tpu.memory_space<vmem>>, vector<128x1xf32>
    %get3A_23 = arith.constant 0 : index
    %get3A_24 = arith.constant 0 : index
    %get3A_25 = vector.load %arg6[%get3A_23, %get3A_24] : memref<128x1xf32, #tpu.memory_space<vmem>>, vector<128x1xf32>
    %add3A_26 = arith.addf %get3A_22, %get3A_25 : vector<128x1xf32>
    %add3A_27 = arith.addf %add3A_26, %get3A_1 : vector<128x1xf32>
    %mul3A_28 = arith.mulf %get3A_1, %add3A_27 : vector<128x1xf32>
    %mul3A_29 = vector.broadcast %mul3A_28 : vector<128x1xf32> to vector<128x32xf32>
    %mul3A_30 = arith.mulf %mul3A_29, %max3A_19 : vector<128x32xf32>
    %reduce_sum3A = arith.constant dense<0.000000e+00> : vector<32xf32>
    %reduce_sum3A_31 = vector.multi_reduction <add>, %mul3A_30, %reduce_sum3A [0] : vector<128x32xf32> to vector<32xf32>
    %broadcast_in_dim3A = vector.shape_cast %reduce_sum3A_31 : vector<32xf32> to vector<1x32xf32>
    %eq3A = arith.constant 0 : i32
    %eq3A_32 = arith.cmpi eq, %arg0, %eq3A : i32
    %convert_element_type3A = arith.extui %eq3A_32 : i1 to i32
    %cond3A = arith.constant 0 : i32
    %cond3A_33 = arith.cmpi ne, %convert_element_type3A, %cond3A : i32
    scf.if %cond3A_33 {
      %broadcast_in_dim3A_45 = arith.constant 0.000000e+00 : f32
      %broadcast_in_dim3A_46 = vector.broadcast %broadcast_in_dim3A_45 : f32 to vector<1x32xf32>
      %swap3A_47 = arith.constant 0 : index
      %swap3A_48 = arith.constant 0 : index
      %swap3A_49 = vector.load %arg13[%swap3A_47, %swap3A_48] : memref<1x32xf32, #tpu.memory_space<vmem>>, vector<1x32xf32>
      tpu.vector_store %arg13[%swap3A_47, %swap3A_48], %broadcast_in_dim3A_46 {strides = array<i32>} : memref<1x32xf32, #tpu.memory_space<vmem>>, vector<1x32xf32>,
    } else {
    }
    %get3A_34 = arith.constant 0 : index
    %get3A_35 = arith.constant 0 : index
    %get3A_36 = vector.load %arg13[%get3A_34, %get3A_35] : memref<1x32xf32, #tpu.memory_space<vmem>>, vector<1x32xf32>
    %add3A_37 = arith.addf %get3A_36, %broadcast_in_dim3A : vector<1x32xf32>
    %swap3A = arith.constant 0 : index
    %swap3A_38 = arith.constant 0 : index
    %swap3A_39 = vector.load %arg13[%swap3A, %swap3A_38] : memref<1x32xf32, #tpu.memory_space<vmem>>, vector<1x32xf32>
    tpu.vector_store %arg13[%swap3A, %swap3A_38], %add3A_37 {strides = array<i32>} : memref<1x32xf32, #tpu.memory_space<vmem>>, vector<1x32xf32>,
    %eq3A_40 = arith.constant 79 : i32
    %eq3A_41 = arith.cmpi eq, %arg0, %eq3A_40 : i32
    %convert_element_type3A_42 = arith.extui %eq3A_41 : i1 to i32
    %cond3A_43 = arith.constant 0 : i32
    %cond3A_44 = arith.cmpi ne, %convert_element_type3A_42, %cond3A_43 : i32
    scf.if %cond3A_44 {
      %get3A_45 = arith.constant 0 : index
      %get3A_46 = arith.constant 0 : index
      %get3A_47 = vector.load %arg13[%get3A_45, %get3A_46] : memref<1x32xf32, #tpu.memory_space<vmem>>, vector<1x32xf32>
      %get3A_48 = arith.constant 0 : index
      %get3A_49 = arith.constant 0 : index
      %get3A_50 = vector.load %arg9[%get3A_48, %get3A_49] : memref<32x32xf32, #tpu.memory_space<vmem>>, vector<32x32xf32>
      %dot_general3A = arith.constant dense<0.000000e+00> : vector<1x32xf32>
      %dot_general3A_51 = tpu.matmul %get3A_47, %get3A_50, %dot_general3A {dimension_numbers = #tpu.dot_dimension_numbers<[1], [0], [0], [1], [0, 0, 1, 1], [], []>, transpose_lhs_hint = false} : vector<1x32xf32>, vector<32x32xf32>, vector<1x32xf32> -> vector<1x32xf32>
      %mul3A_52 = arith.constant 9.99999974E-5 : f32
      %mul3A_53 = vector.broadcast %mul3A_52 : f32 to vector<1x32xf32>
      %mul3A_54 = arith.mulf %dot_general3A_51, %mul3A_53 : vector<1x32xf32>
      %get3A_55 = arith.constant 0 : index
      %get3A_56 = arith.constant 0 : index
      %get3A_57 = vector.load %arg8[%get3A_55, %get3A_56] : memref<1x32xf32, #tpu.memory_space<vmem>>, vector<1x32xf32>
      %add3A_58 = arith.addf %mul3A_54, %get3A_57 : vector<1x32xf32>
      %get3A_59 = arith.constant 0 : index
      %get3A_60 = arith.constant 0 : index
      %get3A_61 = vector.load %arg10[%get3A_59, %get3A_60] : memref<32x3xf32, #tpu.memory_space<vmem>>, vector<32x3xf32>
      %dot_general3A_62 = arith.constant dense<0.000000e+00> : vector<1x3xf32>
      %dot_general3A_63 = tpu.matmul %add3A_58, %get3A_61, %dot_general3A_62 {dimension_numbers = #tpu.dot_dimension_numbers<[1], [0], [0], [1], [0, 0, 1, 1], [], []>, transpose_lhs_hint = false} : vector<1x32xf32>, vector<32x3xf32>, vector<1x3xf32> -> vector<1x3xf32>
      %get3A_64 = arith.constant 0 : index
      %get3A_65 = arith.constant 0 : index
      %get3A_66 = vector.load %arg11[%get3A_64, %get3A_65] : memref<1x3xf32, #tpu.memory_space<vmem>>, vector<1x3xf32>
      %add3A_67 = arith.addf %dot_general3A_63, %get3A_66 : vector<1x3xf32>
      %reduce_max3A = arith.constant dense<0xFF800000> : vector<1xf32>
      %reduce_max3A_68 = vector.multi_reduction <maximumf>, %add3A_67, %reduce_max3A [1] : vector<1x3xf32> to vector<1xf32>
      %broadcast_in_dim3A_69 = vector.shape_cast %reduce_max3A_68 : vector<1xf32> to vector<1x1xf32>
      %sub3A = vector.broadcast %broadcast_in_dim3A_69 : vector<1x1xf32> to vector<1x3xf32>
      %sub3A_70 = arith.subf %add3A_67, %sub3A : vector<1x3xf32>
      %exp3A = math.exp %sub3A_70 : vector<1x3xf32>
      %reduce_sum3A_71 = arith.constant dense<0.000000e+00> : vector<1xf32>
      %reduce_sum3A_72 = vector.multi_reduction <add>, %exp3A, %reduce_sum3A_71 [1] : vector<1x3xf32> to vector<1xf32>
      %broadcast_in_dim3A_73 = vector.shape_cast %reduce_sum3A_72 : vector<1xf32> to vector<1x1xf32>
      %div3A = vector.broadcast %broadcast_in_dim3A_73 : vector<1x1xf32> to vector<1x3xf32>
      %div3A_74 = arith.divf %exp3A, %div3A : vector<1x3xf32>
      %swap3A_75 = arith.constant 0 : index
      %swap3A_76 = arith.constant 0 : index
      %swap3A_77 = vector.load %arg12[%swap3A_75, %swap3A_76] : memref<1x3xf32, #tpu.memory_space<vmem>>, vector<1x3xf32>
      tpu.vector_store %arg12[%swap3A_75, %swap3A_76], %div3A_74 {strides = array<i32>} : memref<1x3xf32, #tpu.memory_space<vmem>>, vector<1x3xf32>,
    } else {
    }
    return
  }
  func.func @transform_0(%arg0: i32) -> (i32, i32) {
    %c0_i32 = arith.constant 0 : i32
    %c0_i32_0 = arith.constant 0 : i32
    return %arg0, %c0_i32 : i32, i32
  }
  func.func @transform_1(%arg0: i32) -> (i32, i32) {
    %c0_i32 = arith.constant 0 : i32
    %c0_i32_0 = arith.constant 0 : i32
    return %arg0, %c0_i32 : i32, i32
  }
  func.func @transform_2(%arg0: i32) -> (i32, i32) {
    %c0_i32 = arith.constant 0 : i32
    %c0_i32_0 = arith.constant 0 : i32
    return %arg0, %c0_i32 : i32, i32
  }
  func.func @transform_3(%arg0: i32) -> (i32, i32) {
    %c0_i32 = arith.constant 0 : i32
    %c0_i32_0 = arith.constant 0 : i32
    return %arg0, %c0_i32 : i32, i32
  }
  func.func @transform_4(%arg0: i32) -> (i32, i32) {
    %c0_i32 = arith.constant 0 : i32
    %c0_i32_0 = arith.constant 0 : i32
    return %arg0, %c0_i32 : i32, i32
  }
  func.func @transform_5(%arg0: i32) -> (i32, i32) {
    %c0_i32 = arith.constant 0 : i32
    %c0_i32_0 = arith.constant 0 : i32
    return %arg0, %c0_i32 : i32, i32
  }
  func.func @transform_6(%arg0: i32) -> (i32, i32) {
    %c0_i32 = arith.constant 0 : i32
    %c0_i32_0 = arith.constant 0 : i32
    %c0_i32_1 = arith.constant 0 : i32
    return %c0_i32, %c0_i32_0 : i32, i32
  }
  func.func @transform_7(%arg0: i32) -> (i32, i32) {
    %c0_i32 = arith.constant 0 : i32
    %c0_i32_0 = arith.constant 0 : i32
    %c0_i32_1 = arith.constant 0 : i32
    return %c0_i32, %c0_i32_0 : i32, i32
  }
  func.func @transform_8(%arg0: i32) -> (i32, i32) {
    %c0_i32 = arith.constant 0 : i32
    %c0_i32_0 = arith.constant 0 : i32
    %c0_i32_1 = arith.constant 0 : i32
    return %c0_i32, %c0_i32_0 : i32, i32
  }
  func.func @transform_9(%arg0: i32) -> (i32, i32) {
    %c0_i32 = arith.constant 0 : i32
    %c0_i32_0 = arith.constant 0 : i32
    %c0_i32_1 = arith.constant 0 : i32
    return %c0_i32, %c0_i32_0 : i32, i32
  }
  func.func @transform_10(%arg0: i32) -> (i32, i32) {
    %c0_i32 = arith.constant 0 : i32
    %c0_i32_0 = arith.constant 0 : i32
    %c0_i32_1 = arith.constant 0 : i32
    return %c0_i32, %c0_i32_0 : i32, i32
  }
  func.func @transform_11(%arg0: i32) -> (i32, i32) {
    %c0_i32 = arith.constant 0 : i32
    %c0_i32_0 = arith.constant 0 : i32
    %c0_i32_1 = arith.constant 0 : i32
    return %c0_i32, %c0_i32_0 : i32, i32
  }
}

</mosaic_0001>

<sc_bundles>
// kernel: kernel.12.cloned.1.call-start
scs
__scs_entry_jumppad:
0x0: {  	(pc) =	sbr.rel $0x88, $3  }
0x1: {  	(tag) =	ssettag $0x0;
	lr =	simm.s32 $0x1  }
0x2: {  	[smem:$0x3F97] =	sst lr;
	_ =	strace $0xD0000000  }
0x3: {  	_ = 	snop  }
0x4: {  	_ = 	snop  }
0x5: {  	_ = 	snop  }
0x6: {  	_ = 	snop  }
0x7: {  	_ = 	snop  }
__scs_overlays_trampoline_lowered:
0x8: {  	[smem:$0x3FA6] =	sst s0  }
0x9: {  	[smem:$0x3FA7] =	sst s1  }
0xa: {  	[smem:$0x3FA8] =	sst s2  }
0xb: {  	[smem:$0x3FA9] =	sst s3  }
0xc: {  	[smem:$0x3FAA] =	sst s4  }
0xd: {  	[smem:$0x3FAB] =	sst s5  }
0xe: {  	[smem:$0x3FAC] =	sst s6  }
0xf: {  	[smem:$0x3FAD] =	sst s7  }
0x10: {  	[smem:$0x3FAE] =	sst s8  }
0x11: {  	[smem:$0x3FAF] =	sst s9;
	s0 =	simm.s32 @!p0 $0x0  }
0x12: {  	s1 =	sld [smem:$0x3F95];
	s0 =	simm.s32 @p0 $0x1  }
0x13: {  	[smem:$0x3FB0] =	sst s0;
	s0 =	simm.s32 @!p1 $0x0  }
0x14: {  	s2 =	sld [smem:$0x3F94];
	s0 =	simm.s32 @p1 $0x1  }
0x15: {  	[smem:$0x3FB1] =	sst s0;
	s0 =	simm.s32 @!p2 $0x0  }
0x16: {  	s3 =	sld [smem:$0x3FDB];
	s0 =	simm.s32 @p2 $0x1  }
0x17: {  	s4 =	simm.s32 $0x1BF5;
	[smem:$0x3FB3] =	sst s0  }
0x18: {  	s0 =	sld [smem:$0x3F96];
	_ =	swait.ge [sflag:s4], $0x0  }
0x19: {  	s7 =	sld [smem:$0x3F97]  }
0x1a: {  	s8 =	sadd.s32 $0xFFFFE003, lr  }
0x1b: {  	s9 =	sadd.s32 $0xFFFFFEF7, lr;
	s5 =	simm.s32 $0xFFFFFFFF;
	p2 =	slt.u32 s8, $0xFFFFF086  }
0x1c: {  	p1 =	slt.u32 s9, $0xF7A;
	s5 =	simm.s32 @!p2 $0x0  }
0x1d: {  	s5 =	simm.s32 @p1 $0x1;
	p0 =	seq.s32 s7, s2  }
0x1e: {  	s7 =	smul.u32 @!p0 $0xF7A, s2;
	p2 =	seq.s32 @!p0 s5, $0x0  }
0x1f: {  	s9 =	smul.u32 $0xF7A, s1;
	s8 =	simm.s32 @!p0 $0x1BF5;
	p2 =	por !p2, p0  }
0x20: {  	[sflag:s8] =	ssyncset.s32 @!p0 $0xFFFFF086;
	s6 =	sadd.s32 @!p0 s3, s7;
	s7 =	simm.s32 @!p0 $0x108  }
0x21: {  	s3 =	sadd.s32 s3, s9;
	s6 =	sadd.s32 @!p0 $0x88, s6;
	s7 =	simm.s32 @p2 $0x1082  }
0x22: {  	[simem:s7], [sflag:s8] =	dma.local @!p0 [hbm:s6], $0xF7A  }
0x23: {  	s9 =	sor.u32 $0xD0000000, s2;
	s6 =	simm.s32 $0x108;
	_ =	swait.ge @!p0 [sflag:s8], $0x0  }
0x24: {  	s3 =	sadd.s32 $0x88, s3;
	s6 =	simm.s32 @!p1 $0x1082;
	[sflag:s4] =	ssyncset.s32 $0xFFFFF086  }
0x25: {  	[simem:s6], [sflag:s4] =	dma.local [hbm:s3], $0xF7A  }
0x26: {  	[smem:$0x3F97] =	sst s1;
	(tag) =	ssettag s2;
	_ =	strace s9  }
0x27: {  	s1 =	sld [smem:$0x3FA7]  }
0x28: {  	s2 =	sld [smem:$0x3FA8]  }
0x29: {  	s4 =	sld [smem:$0x3FAA]  }
0x2a: {  	p0 =	seq.s32 s5, $0x0;
	s5 =	sld [smem:$0x3FAB]  }
0x2b: {  	s6 =	sld [smem:$0x3FAC]  }
0x2c: {  	s7 =	sld [smem:$0x3FAD]  }
0x2d: {  	s3 =	simm.s32 $0x108;
	s8 =	sld [smem:$0x3FAE]  }
0x2e: {  	s3 =	simm.s32 @!p0 $0x1082;
	s9 =	sld [smem:$0x3FAF]  }
0x2f: {  	lr =	sadd.s32 s0, s3;
	s0 =	sld [smem:$0x3FA6]  }
0x30: {  	s3 =	sld [smem:$0x3FA9]  }
0x31: {  	[smem:$0x3FB2] =	sst s10  }
0x32: {  	s10 =	sld [smem:$0x3FB0];
	_ =	sdelay $0x3  }
0x33: {  	p0 =	seq.s32 s10, $0x1;
	s10 =	sld [smem:$0x3FB2];
	_ =	sdelay $0x3  }
0x34: {  	[smem:$0x3FB2] =	sst s10  }
0x35: {  	s10 =	sld [smem:$0x3FB1];
	_ =	sdelay $0x3  }
0x36: {  	p1 =	seq.s32 s10, $0x1;
	s10 =	sld [smem:$0x3FB2];
	_ =	sdelay $0x3  }
0x37: {  	[smem:$0x3FB2] =	sst s10  }
0x38: {  	s10 =	sld [smem:$0x3FB3]  }
0x39: {  	_ = 	snop;
	(pc) =	sbr.ind lr, $3  }
0x3a: {  	_ = 	snop  }
0x3b: {  	_ = 	snop  }
0x3c: {  	p2 =	seq.s32 s10, $0x1;
	s10 =	sld [smem:$0x3FB2]  }
0x3d: {  	_ =	shalt  }
0x3e: {  	_ =	shalt  }
0x3f: {  	_ =	shalt  }
0x40: {  	_ =	shalt  }
0x41: {  	_ =	shalt  }
0x42: {  	_ =	shalt  }
0x43: {  	_ =	shalt  }
0x44: {  	_ =	shalt  }
0x45: {  	_ =	shalt  }
0x46: {  	_ =	shalt  }
0x47: {  	_ =	shalt  }
0x48: {  	_ =	shalt  }
0x49: {  	_ =	shalt  }
0x4a: {  	_ =	shalt  }
0x4b: {  	_ =	shalt  }
0x4c: {  	_ =	shalt  }
0x4d: {  	_ =	shalt  }
0x4e: {  	_ =	shalt  }
0x4f: {  	_ =	shalt  }
0x50: {  	_ =	shalt  }
0x51: {  	_ =	shalt  }
0x52: {  	_ =	shalt  }
0x53: {  	_ =	shalt  }
0x54: {  	_ =	shalt  }
0x55: {  	_ =	shalt  }
0x56: {  	_ =	shalt  }
0x57: {  	_ =	shalt  }
0x58: {  	_ =	shalt  }
0x59: {  	_ =	shalt  }
0x5a: {  	_ =	shalt  }
0x5b: {  	_ =	shalt  }
0x5c: {  	_ =	shalt  }
0x5d: {  	_ =	shalt  }
0x5e: {  	_ =	shalt  }
0x5f: {  	_ =	shalt  }
0x60: {  	_ =	shalt  }
0x61: {  	_ =	shalt  }
0x62: {  	_ =	shalt  }
0x63: {  	_ =	shalt  }
0x64: {  	_ =	shalt  }
0x65: {  	_ =	shalt  }
0x66: {  	_ =	shalt  }
0x67: {  	_ =	shalt  }
0x68: {  	_ =	shalt  }
0x69: {  	_ =	shalt  }
0x6a: {  	_ =	shalt  }
0x6b: {  	_ =	shalt  }
0x6c: {  	_ =	shalt  }
0x6d: {  	_ =	shalt  }
0x6e: {  	_ =	shalt  }
0x6f: {  	_ =	shalt  }
0x70: {  	_ =	shalt  }
0x71: {  	_ =	shalt  }
0x72: {  	_ =	shalt  }
0x73: {  	_ =	shalt  }
0x74: {  	_ =	shalt  }
0x75: {  	_ =	shalt  }
0x76: {  	_ =	shalt  }
0x77: {  	_ =	shalt  }
0x78: {  	_ =	shalt  }
0x79: {  	_ =	shalt  }
0x7a: {  	_ =	shalt  }
0x7b: {  	_ =	shalt  }
0x7c: {  	_ =	shalt  }
0x7d: {  	_ =	shalt  }
0x7e: {  	_ =	shalt  }
0x7f: {  	_ =	shalt  }
0x80: {  	_ =	shalt  }
0x81: {  	_ =	shalt  }
0x82: {  	_ =	shalt  }
0x83: {  	_ =	shalt  }
0x84: {  	_ =	shalt  }
0x85: {  	_ =	shalt  }
0x86: {  	_ =	shalt  }
0x87: {  	_ =	shalt  }
.Lfunc_end0:
.L_simem_size_0:
called_computation.3_lowered:
.L_overlay_start_0:
0x88: {  	s2 =	sld [smem:$0x3FD9]  }
0x89: {  	s3 =	sld [smem:$0x3FFE];
	_ =	sdelay $0x1  }
0x8a: {  	s1 =	srdreg.scid  }
0x8b: {  	s0 =	sand.u32 $0x1, s1  }
0x8c: {  	s17 =	sshll.u32 s0, $0xA;
	s2 =	sadd.s32 s3, s2  }
0x8d: {  	s2 =	sadd.s32 s2, s17  }
0x8e: {  	[smem:$0x3FBE] =	sst s2  }
0x8f: {  	_ = 	snop  }
0x90: {  	(tm) =	ssettm $0x1  }
0x91: {  	s18 =	sld [smem:$0x3FFB];
	_ =	sdelay $0x3  }
0x92: {  	_ =	strace s18  }
0x93: {  	s2 =	sld [smem:$0x3FFC];
	_ =	sdelay $0x3  }
0x94: {  	_ =	strace s2  }
0x95: {  	s2 =	sld [smem:$0x3FFD];
	_ =	sdelay $0x3  }
0x96: {  	_ =	strace s2  }
0x97: {  	_ =	strace $0x8FFFFFFF  }
0x98: {  	s19 =	sld [smem:$0x3FDB];
	_ =	sdelay $0x1  }
0x99: {  	s20 =	simm.s32 $_scs_section_size  }
0x9a: {  	s4 =	simm.s32 $_size__tile_overlayer_lowered;
	s5 =	simm.s32 $_tile_overlayer_lowered  }
0x9b: {  	s6 =	simm.s32 $0x1BFF;
	s21 =	sshll.u32 s5, $0x1;
	s3 =	sadd.s32 s20, s19  }
0x9c: {  	s22 =	simm.s32 $0x0;
	s4 =	sshll.u32 s4, $0x1;
	s5 =	sadd.s32 s21, s3  }
0x9d: {  	[timem:s22], [sflag:s6] =	dma.local [hbm:s5], s4  }
0x9e: {  	_ =	swait.ge [sflag:s6], s4  }
0x9f: {  	s4 =	ssub.s32 $0x0, s4;
	[sflag:s6] =	ssyncset.done $0x0  }
0xa0: {  	[sflag:s6] =	ssyncadd.s32 s4;
	_ =	sdelay $0x1  }
0xa1: {  	s23 =	simm.s32 $0x1B8B  }
0xa2: {  	_ =	swait.ge [sflag:s23], $0x1  }
0xa3: {  	[sflag:s23] =	ssyncset.done $0x0  }
0xa4: {  	[sflag:s23] =	ssyncadd.s32 $0xFFFFFFFF  }
0xa5: {  	s4 =	sld [smem:$0x0]  }
0xa6: {  	s5 =	sand.u32 $0xFFFFFFFE, s1  }
0xa7: {  	p0 =	sne.s32 s1, s5  }
0xa8: {  	s5 =	sshll.u32 @p0 s5, $0xE  }
0xa9: {  	s5 =	sadd.s32 @p0 $0x11B8D, s5;
	s6 =	sshll.u32 @p0 s4, $0x11  }
0xaa: {  	s5 =	sor.u32 @p0 s6, s5  }
0xab: {  	[sflag:s5] =	ssyncadd.remote.s32 @p0 $0x1;
	_ =	sdelay $0x1  }
0xac: {  	s5 =	simm.s32 @p0 $0x1B8D  }
0xad: {  	_ =	swait.eq @p0 [sflag:s5], $0x1  }
0xae: {  	[sflag:s5] =	ssyncadd.s32 @p0 $0xFFFFFFFF  }
0xaf: {  	s6 =	sshll.u32 @!p0 s1, $0xE  }
0xb0: {  	s6 =	sor.u32 @!p0 $0x4000, s6;
	s5 =	simm.s32 @!p0 $0x1B8D  }
0xb1: {  	s4 =	sshll.u32 @!p0 s4, $0x11;
	s6 =	sadd.s32 @!p0 $0x11B8D, s6;
	_ =	swait.eq @!p0 [sflag:s5], $0x1  }
0xb2: {  	s4 =	sor.u32 @!p0 s4, s6;
	[sflag:s5] =	ssyncadd.s32 @!p0 $0xFFFFFFFF  }
0xb3: {  	s25 =	simm.s32 $0x1B8E;
	s24 =	sld [smem:$0x3FFE];
	[sflag:s4] =	ssyncadd.remote.s32 @!p0 $0x1  }
0xb4: {  	s26 =	simm.s32 $execute0_lowered;
	[smem:$0x3FD2] =	sst s25  }
0xb5: {  	s5 =	sshll.u32 s26, $0x1;
	_ =	strace $0x80000052;
	[dreg:$0x1] =	wrdreg $0xFFFFFFFF  }
0xb6: {  	s28 =	simm.s32 $_size_execute0_lowered;
	s3 =	sadd.s32 s3, s5;
	[dreg:$0x0] =	wrdreg $0x0  }
0xb7: {  	s5 =	sshll.u32 s28, $0x1;
	[dreg:$0x2] =	wrdreg s3  }
0xb8: {  	[dreg:$0x3] =	wrdreg s5  }
0xb9: {  	[dreg:$0x4] =	wrdreg $0xC0  }
0xba: {  	_ =	task [dreg:s22], $0x5FFFF  }
0xbb: {  	[dreg:$0x1] =	wrdreg $0xFFFFFFFF  }
0xbc: {  	[dreg:$0x0] =	wrdreg $0x60  }
0xbd: {  	[dreg:$0x2] =	wrdreg s24  }
0xbe: {  	[dreg:$0x3] =	wrdreg $0x50800  }
0xbf: {  	[dreg:$0x4] =	wrdreg $0x53000  }
0xc0: {  	[dreg:$0x5] =	wrdreg $0x9  }
0xc1: {  	_ =	task.clear_ibuf [dreg:s22], $0x6FFFF;
	_ =	strace $0x90000052  }
0xc2: {  	s29 =	simm.s32 $0x9;
	_ =	strace $0x80000054  }
0xc3: {  	_ =	swait.ge [sflag:s29], $0x1  }
0xc4: {  	[sflag:s29] =	ssyncadd.s32 $0xFFFFFFFF  }
0xc5: {  	_ =	strace $0x90000054  }
0xc6: {  	_ =	sfence  }
0xc7: {  	s30 =	sld [smem:$0x0];
	_ =	sdelay $0x2  }
0xc8: {  	s31 =	sshll.u32 s1, $0xD;
	s1 =	sshrl.u32 s1, $0x2  }
0xc9: {  	s4 =	sand.u32 $0x4000, s31;
	s1 =	sadd.s32 s1, s30  }
0xca: {  	s0 =	sor.u32 s4, s0;
	s1 =	sshll.u32 s1, $0x11  }
0xcb: {  	s0 =	sor.u32 s1, s0  }
0xcc: {  	s0 =	sadd.s32 $0x8F2B, s0  }
0xcd: {  	[sflag:s0] =	ssyncadd.remote.s32 $0x1  }
0xce: {  	_ =	sfence.sel $0xFFFF  }
0xcf: {  	[dreg:$0x0] =	wrdreg $0xFFFFFFFF;
	(pc) =	sbr.abs _section_cstart, $3  }
0xd0: {  	[dreg:$0x1] =	wrdreg $0xFFFFFFFF  }
0xd1: {  	_ =	task.clear_ibuf [dreg:s22], $0x2FFFF;
	_ =	strace $0x9FFFFFFF  }
0xd2: {  	(tm) =	ssettm $0x7FFFFFFF  }
0xd3: {  	_ =	shalt  }
tec
execute0_lowered:
.L_overlay_start_1:
0x0: {  	(tag) =	ssettag $0x1  }
0x1: {  	s5 =	rddreg [dreg:$0x0]  }
0x2: {  	s1 =	rddreg [dreg:$0x1]  }
0x3: {  	s3 =	rddreg [dreg:$0x2]  }
0x4: {  	s0 =	rddreg [dreg:$0x3];
	s4 =	simm.s32 $0x0  }
0x5: {  	s2 =	stileid.u32;
	s6 =	srdreg.scid;
	s16 =	simm.s32 $0x80  }
0x6: {  	s17 =	simm.s32 $0x5000;
	s18 =	simm.s32 $0x20;
	s19 =	simm.s32 $0x10  }
0x7: {  	s20 =	simm.s32 $0x0;
	[smem:$0x7FF] =	sst s4;
	s7 =	smul.u32 $0x280, s2  }
0x8: {  	s6 =	sand.u32 $0x1, s6;
	s8 =	sshll.u32 s2, $0x1;
	s9 =	smul.u32 $0x500, s2  }
0x9: {  	s31 =	sshll.u32 s2, $0x6;
	_ =	strace $0x80000053;
	s8 =	sor.u32 s6, s8  }
0xa: {  	s11 =	sshll.u32 s6, $0x7;
	s6 =	ssub.s32 $0x2, s6;
	s10 =	sshrl.u32 s7, $0x3  }
0xb: {  	s8 =	smul.u32 $0x500, s8;
	s9 =	sor.u32 s11, s9;
	s30 =	sshrl.u32 s6, $0x1  }
0xc: {  	s14 =	sadd.s32 s7, s1;
	s15 =	sadd.s32 s7, s3;
	s10 =	sadd.s32 s10, s5  }
0xd: {  	s29 =	sshrl.u32 s9, $0x3;
	s13 =	ssub.s32 s6, s30;
	s6 =	sor.u32 $0x1C01, s31  }
0xe: {  	s28 =	sadd.s32 s8, s5;
	s12 =	sadd.s32 s29, s5;
	s5 =	sadd.s32 $0xC800, s10  }
0xf: {  	s7 =	sadd.s32 $0xCE00, s10;
	s11 =	smax.u32 s13, $0x1;
	s8 =	sadd.s32 $0x2800, s28  }
0x10: {  	s13 =	simm.s32 $0x1;
	s9 =	sadd.s32 $0x516400, s28;
	s10 =	sadd.s32 $0x426400, s12  }
0x11: {  	s12 =	sshrl.u32 s14, $0x3;
	s14 =	sshrl.u32 s15, $0x3;
	s15 =	simm.s32 $0x2800  }
.LBB2_1:
0x12: {  	[spmem:s12], [sflag:s6] =	dma.local [hbm:s5], $0x50  }
0x13: {  	_ =	swait.ge [sflag:s13], $0x50  }
0x14: {  	[sflag:s13] =	ssyncset.done $0x0  }
0x15: {  	[sflag:s13] =	ssyncadd.s32 $0xFFFFFFB0  }
0x16: {  	[spmem:s14], [sflag:s6] =	dma.local [hbm:s7], $0x50  }
0x17: {  	_ =	swait.ge [sflag:s13], $0x50  }
0x18: {  	[sflag:s13] =	ssyncset.done $0x0  }
0x19: {  	[sflag:s13] =	ssyncadd.s32 $0xFFFFFFB0  }
0x1a: {  	[tilespmem:s4], [sflag:$0x1] =	stream.linear.gather [hbm4b:s8+s4], $0x2800, $0x38;
	[tilespmem:$0x5580] =	vst v63  }
0x1b: {  	_ =	swait.ge [sflag:s13], $0x2800  }
0x1c: {  	[sflag:s13] =	ssyncset.done $0x0  }
0x1d: {  	[sflag:s13] =	ssyncadd.s32 $0xFFFFD800  }
0x1e: {  	[tilespmem:s15], [sflag:$0x1] =	stream.linear.gather [hbm4b:s9+s4], $0x2800, $0x38;
	[tilespmem:$0x5580] =	vst v63  }
0x1f: {  	_ =	swait.ge [sflag:s13], $0x2800  }
0x20: {  	[sflag:s13] =	ssyncset.done $0x0  }
0x21: {  	[sflag:s13] =	ssyncadd.s32 $0xFFFFD800  }
0x22: {  	s21 =	simm.s32 $0x2800;
	[bflag:$0x0] =	sbarrier.arrive $0xFFFF  }
0x23: {  	[tilespmem:s17], [sflag:$0x1] =	stream.indirect.gather [spmem:s3], $0x1, s21, s16, $0xb8;
	[tilespmem:$0x5580] =	vst v63  }
0x24: {  	_ =	swait.ge [sflag:s13], $0x80  }
0x25: {  	[sflag:s13] =	ssyncset.done $0x0  }
0x26: {  	s31 =	simm.s32 $0x0;
	[sflag:s13] =	ssyncadd.s32 $0xFFFFFF80  }
0x27: {  	[spmem:s1] =	stream.indirect.scatter.add.f32 [tilespmem:s17], [sflag:$0x1], $0x1, s31, s16, $0xb8;
	[tilespmem:$0x5580] =	vst v63  }
0x28: {  	_ =	swait.ge [sflag:s13], $0x80  }
0x29: {  	s22 =	simm.s32 $0x400;
	s21 =	simm.s32 $0x80;
	[sflag:s13] =	ssyncset.done $0x0  }
.LBB2_2:
0x2a: {  	s23 =	sadd.s32 $0x2800, s21  }
0x2b: {  	[sflag:s13] =	ssyncadd.s32 $0xFFFFFF80;
	s24 =	smov.u32 s22;
	s25 =	sadd.s32 $0x200, s22  }
0x2c: {  	[tilespmem:s17], [sflag:$0x1] =	stream.indirect.gather [spmem:s3], $0x1, s23, s16, $0xb8;
	[tilespmem:$0x5580] =	vst v63  }
0x2d: {  	p0 =	sne.s32 s22, $0x9E00;
	_ =	swait.ge [sflag:s13], $0x80  }
.Ltmp0:
0x2e: {  	[sflag:s13] =	ssyncset.done $0x0;
	(pc) =	sbr.rel @p0 .LBB2_2-.Ltmp0, $4  }
0x2f: {  	[sflag:s13] =	ssyncadd.s32 $0xFFFFFF80  }
0x30: {  	[spmem:s1] =	stream.indirect.scatter.add.f32 [tilespmem:s17], [sflag:$0x1], $0x1, s21, s16, $0xb8;
	[tilespmem:$0x5580] =	vst v63  }
0x31: {  	_ =	swait.ge [sflag:s13], $0x80  }
0x32: {  	s22 =	smov.u32 s25;
	s21 =	sshra.s32 s24, $0x2;
	[sflag:s13] =	ssyncset.done $0x0  }
0x33: {  	s22 =	sadd.s32 $0x2800, s21;
	[sflag:s13] =	ssyncadd.s32 $0xFFFFFF80  }
0x34: {  	[tilespmem:s17], [sflag:$0x1] =	stream.indirect.gather [spmem:s3], $0x1, s22, s16, $0xb8;
	[tilespmem:$0x5580] =	vst v63  }
0x35: {  	_ =	swait.ge [sflag:s13], $0x80  }
0x36: {  	[sflag:s13] =	ssyncset.done $0x0  }
0x37: {  	[sflag:s13] =	ssyncadd.s32 $0xFFFFFF80  }
0x38: {  	[spmem:s1] =	stream.indirect.scatter.add.f32 [tilespmem:s17], [sflag:$0x1], $0x1, s21, s16, $0xb8;
	[tilespmem:$0x5580] =	vst v63  }
0x39: {  	_ =	swait.ge [sflag:s13], $0x80  }
0x3a: {  	s20 =	sadd.s32 $0x1, s20;
	[sflag:s13] =	ssyncset.done $0x0  }
0x3b: {  	p0 =	sne.s32 s20, s11;
	[sflag:s13] =	ssyncadd.s32 $0xFFFFFF80  }
.Ltmp1:
0x3c: {  	[bflag:$0x0] =	sbarrier.arrive $0xFFFF;
	(pc) =	sbr.rel @p0 .LBB2_1-.Ltmp1, $4  }
0x3d: {  	[hbm:s10@s18], [sflag:s6] =	dma.strided [spmem:s12@s19], $0x50, s13, $0x10   }
0x3e: {  	_ =	swait.ge [sflag:s13], $0x50  }
0x3f: {  	[sflag:s13] =	ssyncset.done $0x0  }
0x40: {  	[sflag:s13] =	ssyncadd.s32 $0xFFFFFFB0  }
0x41: {  	_ =	sfence.sel $0x180000  }
0x42: {  	[bflag:$0x0] =	sbarrier.arrive $0xFFFF  }
0x43: {  	p0 =	sne.s32 s2, $0x0;
	_ =	strace $0x90000053  }
0x44: {  	s0 =	sadd.s32 @!p0 $0x100000, s0;
	[bflag:$0x2] =	sbarrier.arrive $0xFFFF  }
0x45: {  	[sflag:s0] =	ssyncadd.tile.s32 @!p0 $0x1;
	_ =	shalt  }
.Lfunc_end2:
_tile_overlayer_lowered:
.L_overlay_start_2:
0x46: {  	(tag) =	ssettag $0x2  }
0x47: {  	s0 =	rddreg [dreg:$0x0];
	s2 =	stileid.u32  }
0x48: {  	s1 =	rddreg [dreg:$0x1];
	p0 =	sne.s32 s2, $0x0  }
0x49: {  	s3 =	rddreg [dreg:$0x2];
	[bflag:$0x3] =	sbarrier.arrive $0xFFFF;
	s2 =	simm.s32 @!p0 $0x1C01  }
0x4a: {  	[timem:s3], [sflag:s2] =	dma.local @!p0 [hbm:s0], s1  }
0x4b: {  	s0 =	simm.s32 @!p0 $0x1  }
0x4c: {  	_ =	swait.ge @!p0 [sflag:s0], s1  }
0x4d: {  	s1 =	ssub.s32 @!p0 $0x0, s1;
	[sflag:s0] =	ssyncset.done @!p0 $0x0  }
0x4e: {  	[sflag:s0] =	ssyncadd.s32 @!p0 s1  }
0x4f: {  	[bflag:$0x3] =	sbarrier.arrive $0xFFFF  }
0x50: {  	_ =	shalt  }

// kernel: kernel.15.cloned.1.call-start
scs
__scs_entry_jumppad:
0x0: {  	(pc) =	sbr.rel $0x88, $3  }
0x1: {  	(tag) =	ssettag $0x0;
	lr =	simm.s32 $0x1  }
0x2: {  	[smem:$0x3F97] =	sst lr;
	_ =	strace $0xD0000000  }
0x3: {  	_ = 	snop  }
0x4: {  	_ = 	snop  }
0x5: {  	_ = 	snop  }
0x6: {  	_ = 	snop  }
0x7: {  	_ = 	snop  }
__scs_overlays_trampoline_lowered:
0x8: {  	[smem:$0x3FA6] =	sst s0  }
0x9: {  	[smem:$0x3FA7] =	sst s1  }
0xa: {  	[smem:$0x3FA8] =	sst s2  }
0xb: {  	[smem:$0x3FA9] =	sst s3  }
0xc: {  	[smem:$0x3FAA] =	sst s4  }
0xd: {  	[smem:$0x3FAB] =	sst s5  }
0xe: {  	[smem:$0x3FAC] =	sst s6  }
0xf: {  	[smem:$0x3FAD] =	sst s7  }
0x10: {  	[smem:$0x3FAE] =	sst s8  }
0x11: {  	[smem:$0x3FAF] =	sst s9;
	s0 =	simm.s32 @!p0 $0x0  }
0x12: {  	s1 =	sld [smem:$0x3F95];
	s0 =	simm.s32 @p0 $0x1  }
0x13: {  	[smem:$0x3FB0] =	sst s0;
	s0 =	simm.s32 @!p1 $0x0  }
0x14: {  	s2 =	sld [smem:$0x3F94];
	s0 =	simm.s32 @p1 $0x1  }
0x15: {  	[smem:$0x3FB1] =	sst s0;
	s0 =	simm.s32 @!p2 $0x0  }
0x16: {  	s3 =	sld [smem:$0x3FDB];
	s0 =	simm.s32 @p2 $0x1  }
0x17: {  	s4 =	simm.s32 $0x1BF5;
	[smem:$0x3FB3] =	sst s0  }
0x18: {  	s0 =	sld [smem:$0x3F96];
	_ =	swait.ge [sflag:s4], $0x0  }
0x19: {  	s7 =	sld [smem:$0x3F97]  }
0x1a: {  	s8 =	sadd.s32 $0xFFFFE003, lr  }
0x1b: {  	s9 =	sadd.s32 $0xFFFFFEF7, lr;
	s5 =	simm.s32 $0xFFFFFFFF;
	p2 =	slt.u32 s8, $0xFFFFF086  }
0x1c: {  	p1 =	slt.u32 s9, $0xF7A;
	s5 =	simm.s32 @!p2 $0x0  }
0x1d: {  	s5 =	simm.s32 @p1 $0x1;
	p0 =	seq.s32 s7, s2  }
0x1e: {  	s7 =	smul.u32 @!p0 $0xF7A, s2;
	p2 =	seq.s32 @!p0 s5, $0x0  }
0x1f: {  	s9 =	smul.u32 $0xF7A, s1;
	s8 =	simm.s32 @!p0 $0x1BF5;
	p2 =	por !p2, p0  }
0x20: {  	[sflag:s8] =	ssyncset.s32 @!p0 $0xFFFFF086;
	s6 =	sadd.s32 @!p0 s3, s7;
	s7 =	simm.s32 @!p0 $0x108  }
0x21: {  	s3 =	sadd.s32 s3, s9;
	s6 =	sadd.s32 @!p0 $0x88, s6;
	s7 =	simm.s32 @p2 $0x1082  }
0x22: {  	[simem:s7], [sflag:s8] =	dma.local @!p0 [hbm:s6], $0xF7A  }
0x23: {  	s9 =	sor.u32 $0xD0000000, s2;
	s6 =	simm.s32 $0x108;
	_ =	swait.ge @!p0 [sflag:s8], $0x0  }
0x24: {  	s3 =	sadd.s32 $0x88, s3;
	s6 =	simm.s32 @!p1 $0x1082;
	[sflag:s4] =	ssyncset.s32 $0xFFFFF086  }
0x25: {  	[simem:s6], [sflag:s4] =	dma.local [hbm:s3], $0xF7A  }
0x26: {  	[smem:$0x3F97] =	sst s1;
	(tag) =	ssettag s2;
	_ =	strace s9  }
0x27: {  	s1 =	sld [smem:$0x3FA7]  }
0x28: {  	s2 =	sld [smem:$0x3FA8]  }
0x29: {  	s4 =	sld [smem:$0x3FAA]  }
0x2a: {  	p0 =	seq.s32 s5, $0x0;
	s5 =	sld [smem:$0x3FAB]  }
0x2b: {  	s6 =	sld [smem:$0x3FAC]  }
0x2c: {  	s7 =	sld [smem:$0x3FAD]  }
0x2d: {  	s3 =	simm.s32 $0x108;
	s8 =	sld [smem:$0x3FAE]  }
0x2e: {  	s3 =	simm.s32 @!p0 $0x1082;
	s9 =	sld [smem:$0x3FAF]  }
0x2f: {  	lr =	sadd.s32 s0, s3;
	s0 =	sld [smem:$0x3FA6]  }
0x30: {  	s3 =	sld [smem:$0x3FA9]  }
0x31: {  	[smem:$0x3FB2] =	sst s10  }
0x32: {  	s10 =	sld [smem:$0x3FB0];
	_ =	sdelay $0x3  }
0x33: {  	p0 =	seq.s32 s10, $0x1;
	s10 =	sld [smem:$0x3FB2];
	_ =	sdelay $0x3  }
0x34: {  	[smem:$0x3FB2] =	sst s10  }
0x35: {  	s10 =	sld [smem:$0x3FB1];
	_ =	sdelay $0x3  }
0x36: {  	p1 =	seq.s32 s10, $0x1;
	s10 =	sld [smem:$0x3FB2];
	_ =	sdelay $0x3  }
0x37: {  	[smem:$0x3FB2] =	sst s10  }
0x38: {  	s10 =	sld [smem:$0x3FB3]  }
0x39: {  	_ = 	snop;
	(pc) =	sbr.ind lr, $3  }
0x3a: {  	_ = 	snop  }
0x3b: {  	_ = 	snop  }
0x3c: {  	p2 =	seq.s32 s10, $0x1;
	s10 =	sld [smem:$0x3FB2]  }
0x3d: {  	_ =	shalt  }
0x3e: {  	_ =	shalt  }
0x3f: {  	_ =	shalt  }
0x40: {  	_ =	shalt  }
0x41: {  	_ =	shalt  }
0x42: {  	_ =	shalt  }
0x43: {  	_ =	shalt  }
0x44: {  	_ =	shalt  }
0x45: {  	_ =	shalt  }
0x46: {  	_ =	shalt  }
0x47: {  	_ =	shalt  }
0x48: {  	_ =	shalt  }
0x49: {  	_ =	shalt  }
0x4a: {  	_ =	shalt  }
0x4b: {  	_ =	shalt  }
0x4c: {  	_ =	shalt  }
0x4d: {  	_ =	shalt  }
0x4e: {  	_ =	shalt  }
0x4f: {  	_ =	shalt  }
0x50: {  	_ =	shalt  }
0x51: {  	_ =	shalt  }
0x52: {  	_ =	shalt  }
0x53: {  	_ =	shalt  }
0x54: {  	_ =	shalt  }
0x55: {  	_ =	shalt  }
0x56: {  	_ =	shalt  }
0x57: {  	_ =	shalt  }
0x58: {  	_ =	shalt  }
0x59: {  	_ =	shalt  }
0x5a: {  	_ =	shalt  }
0x5b: {  	_ =	shalt  }
0x5c: {  	_ =	shalt  }
0x5d: {  	_ =	shalt  }
0x5e: {  	_ =	shalt  }
0x5f: {  	_ =	shalt  }
0x60: {  	_ =	shalt  }
0x61: {  	_ =	shalt  }
0x62: {  	_ =	shalt  }
0x63: {  	_ =	shalt  }
0x64: {  	_ =	shalt  }
0x65: {  	_ =	shalt  }
0x66: {  	_ =	shalt  }
0x67: {  	_ =	shalt  }
0x68: {  	_ =	shalt  }
0x69: {  	_ =	shalt  }
0x6a: {  	_ =	shalt  }
0x6b: {  	_ =	shalt  }
0x6c: {  	_ =	shalt  }
0x6d: {  	_ =	shalt  }
0x6e: {  	_ =	shalt  }
0x6f: {  	_ =	shalt  }
0x70: {  	_ =	shalt  }
0x71: {  	_ =	shalt  }
0x72: {  	_ =	shalt  }
0x73: {  	_ =	shalt  }
0x74: {  	_ =	shalt  }
0x75: {  	_ =	shalt  }
0x76: {  	_ =	shalt  }
0x77: {  	_ =	shalt  }
0x78: {  	_ =	shalt  }
0x79: {  	_ =	shalt  }
0x7a: {  	_ =	shalt  }
0x7b: {  	_ =	shalt  }
0x7c: {  	_ =	shalt  }
0x7d: {  	_ =	shalt  }
0x7e: {  	_ =	shalt  }
0x7f: {  	_ =	shalt  }
0x80: {  	_ =	shalt  }
0x81: {  	_ =	shalt  }
0x82: {  	_ =	shalt  }
0x83: {  	_ =	shalt  }
0x84: {  	_ =	shalt  }
0x85: {  	_ =	shalt  }
0x86: {  	_ =	shalt  }
0x87: {  	_ =	shalt  }
.Lfunc_end0:
.L_simem_size_0:
called_computation.4_lowered:
.L_overlay_start_0:
0x88: {  	s2 =	sld [smem:$0x3FD9]  }
0x89: {  	s3 =	sld [smem:$0x3FFE];
	_ =	sdelay $0x1  }
0x8a: {  	s1 =	srdreg.scid  }
0x8b: {  	s0 =	sand.u32 $0x1, s1  }
0x8c: {  	s16 =	sshll.u32 s0, $0xA;
	s2 =	sadd.s32 s3, s2  }
0x8d: {  	s2 =	sadd.s32 s2, s16  }
0x8e: {  	[smem:$0x3FBE] =	sst s2  }
0x8f: {  	_ = 	snop  }
0x90: {  	(tm) =	ssettm $0x1  }
0x91: {  	s17 =	sld [smem:$0x3FFB];
	_ =	sdelay $0x3  }
0x92: {  	_ =	strace s17  }
0x93: {  	s2 =	sld [smem:$0x3FFC];
	_ =	sdelay $0x3  }
0x94: {  	_ =	strace s2  }
0x95: {  	s2 =	sld [smem:$0x3FFD];
	_ =	sdelay $0x3  }
0x96: {  	_ =	strace s2  }
0x97: {  	_ =	strace $0x8FFFFFFF  }
0x98: {  	s18 =	sld [smem:$0x3FDB];
	_ =	sdelay $0x1  }
0x99: {  	s19 =	simm.s32 $_scs_section_size  }
0x9a: {  	s4 =	simm.s32 $_size__tile_overlayer_lowered;
	s5 =	simm.s32 $_tile_overlayer_lowered  }
0x9b: {  	s22 =	simm.s32 $0x1BFF;
	s21 =	sshll.u32 s5, $0x1;
	s2 =	sadd.s32 s19, s18  }
0x9c: {  	s6 =	simm.s32 $0x0;
	s20 =	sshll.u32 s4, $0x1;
	s4 =	sadd.s32 s21, s2  }
0x9d: {  	[timem:s6], [sflag:s22] =	dma.local [hbm:s4], s20  }
0x9e: {  	_ =	swait.ge [sflag:s22], s20  }
0x9f: {  	s3 =	ssub.s32 $0x0, s20;
	[sflag:s22] =	ssyncset.done $0x0  }
0xa0: {  	[sflag:s22] =	ssyncadd.s32 s3;
	_ =	sdelay $0x1  }
0xa1: {  	s23 =	simm.s32 $0x1B8B  }
0xa2: {  	_ =	swait.ge [sflag:s23], $0x1  }
0xa3: {  	[sflag:s23] =	ssyncset.done $0x0  }
0xa4: {  	s25 =	simm.s32 $0x1B8E;
	s24 =	sld [smem:$0x3FFE];
	[sflag:s23] =	ssyncadd.s32 $0xFFFFFFFF  }
0xa5: {  	s26 =	simm.s32 $execute0_lowered;
	[smem:$0x3FD2] =	sst s25  }
0xa6: {  	s4 =	sshll.u32 s26, $0x1;
	_ =	strace $0x8000004F;
	[dreg:$0x1] =	wrdreg $0xFFFFFFFF  }
0xa7: {  	s28 =	simm.s32 $_size_execute0_lowered;
	s2 =	sadd.s32 s2, s4;
	[dreg:$0x0] =	wrdreg $0x0  }
0xa8: {  	s4 =	sshll.u32 s28, $0x1;
	[dreg:$0x2] =	wrdreg s2  }
0xa9: {  	[dreg:$0x3] =	wrdreg s4  }
0xaa: {  	[dreg:$0x4] =	wrdreg $0xC0  }
0xab: {  	_ =	task [dreg:s6], $0x5FFFF  }
0xac: {  	[dreg:$0x1] =	wrdreg $0xFFFFFFFF  }
0xad: {  	[dreg:$0x0] =	wrdreg $0x60  }
0xae: {  	[dreg:$0x2] =	wrdreg s24  }
0xaf: {  	[dreg:$0x3] =	wrdreg $0xA0800  }
0xb0: {  	[dreg:$0x4] =	wrdreg $0xF0800  }
0xb1: {  	[dreg:$0x5] =	wrdreg $0xA  }
0xb2: {  	_ =	task.clear_ibuf [dreg:s6], $0x6FFFF;
	_ =	strace $0x9000004F  }
0xb3: {  	s29 =	simm.s32 $0xA;
	_ =	strace $0x80000051  }
0xb4: {  	_ =	swait.ge [sflag:s29], $0x1  }
0xb5: {  	[sflag:s29] =	ssyncadd.s32 $0xFFFFFFFF  }
0xb6: {  	_ =	strace $0x90000051  }
0xb7: {  	_ =	sfence  }
0xb8: {  	s30 =	sld [smem:$0x0];
	_ =	sdelay $0x2  }
0xb9: {  	s31 =	sshll.u32 s1, $0xD;
	s1 =	sshrl.u32 s1, $0x2  }
0xba: {  	s3 =	sand.u32 $0x4000, s31;
	s1 =	sadd.s32 s1, s30  }
0xbb: {  	s0 =	sor.u32 s3, s0;
	s1 =	sshll.u32 s1, $0x11  }
0xbc: {  	s0 =	sor.u32 s1, s0  }
0xbd: {  	s0 =	sadd.s32 $0x8F2B, s0  }
0xbe: {  	[sflag:s0] =	ssyncadd.remote.s32 $0x1  }
0xbf: {  	_ =	sfence.sel $0xFFFF  }
0xc0: {  	[dreg:$0x0] =	wrdreg $0xFFFFFFFF;
	(pc) =	sbr.abs _section_cstart, $3  }
0xc1: {  	[dreg:$0x1] =	wrdreg $0xFFFFFFFF  }
0xc2: {  	_ =	task.clear_ibuf [dreg:s6], $0x2FFFF;
	_ =	strace $0x9FFFFFFF  }
0xc3: {  	(tm) =	ssettm $0x7FFFFFFF  }
tec
execute0_lowered:
.L_overlay_start_1:
0x0: {  	(tag) =	ssettag $0x1  }
0x1: {  	s7 =	rddreg [dreg:$0x0]  }
0x2: {  	s2 =	rddreg [dreg:$0x1]  }
0x3: {  	s3 =	rddreg [dreg:$0x2]  }
0x4: {  	s1 =	stileid.u32;
	s0 =	rddreg [dreg:$0x3];
	s4 =	simm.s32 $0x0  }
0x5: {  	s5 =	srdreg.scid;
	s17 =	simm.s32 $0x80;
	s18 =	simm.s32 $0xA000  }
0x6: {  	s19 =	simm.s32 $0x20;
	s20 =	simm.s32 $0x10;
	s9 =	smul.u32 $0x5000, s1  }
0x7: {  	[smem:$0x7FF] =	sst s4;
	s10 =	sand.u32 $0x1, s5;
	s8 =	smul.u32 $0xA000, s1  }
0x8: {  	s5 =	sadd.s32 $0xD800, s7;
	s30 =	sshll.u32 s1, $0x6;
	s16 =	sshll.u32 s1, $0x5  }
0x9: {  	_ =	strace $0x80000050;
	s29 =	sshll.u32 s10, $0x7;
	s12 =	ssub.s32 $0x2, s10  }
0xa: {  	s10 =	sshll.u32 s10, $0x4;
	s6 =	sshrl.u32 s9, $0x3;
	s8 =	sor.u32 s29, s8  }
0xb: {  	s13 =	sshrl.u32 s12, $0x1;
	s31 =	sadd.s32 s9, s2;
	s15 =	sadd.s32 s9, s3  }
0xc: {  	s10 =	sor.u32 s10, s16;
	s16 =	simm.s32 $0x5000;
	s11 =	sadd.s32 s6, s7  }
0xd: {  	s6 =	sadd.s32 $0x296400, s7;
	s8 =	sshrl.u32 s8, $0x3;
	s12 =	ssub.s32 s12, s13  }
0xe: {  	s13 =	sshrl.u32 s31, $0x3;
	s14 =	sadd.s32 s8, s7;
	s7 =	sadd.s32 $0x408400, s11  }
0xf: {  	s15 =	sshrl.u32 s15, $0x3;
	s8 =	sor.u32 $0x1C01, s30;
	s9 =	sadd.s32 $0x3FE400, s11  }
0x10: {  	s12 =	smax.u32 s12, $0x1;
	s11 =	sadd.s32 $0x412400, s14;
	s14 =	simm.s32 $0x1  }
.LBB2_1:
0x11: {  	[spmem:s13], [sflag:s8] =	dma.local [hbm:s7], $0xA00  }
0x12: {  	_ =	swait.ge [sflag:s14], $0xA00  }
0x13: {  	[sflag:s14] =	ssyncset.done $0x0  }
0x14: {  	[sflag:s14] =	ssyncadd.s32 $0xFFFFF600  }
0x15: {  	[spmem:s15], [sflag:s8] =	dma.local [hbm:s9], $0xA00  }
0x16: {  	_ =	swait.ge [sflag:s14], $0xA00  }
0x17: {  	[sflag:s14] =	ssyncset.done $0x0  }
0x18: {  	[sflag:s14] =	ssyncadd.s32 $0xFFFFF600  }
0x19: {  	s21 =	simm.s32 $0x0;
	[bflag:$0x0] =	sbarrier.arrive $0xFFFF  }
.LBB2_2:
0x1a: {  	s22 =	sadd.s32 s10, s21  }
0x1b: {  	s22 =	smul.u32 $0xA00, s22;
	_ =	sdelay $0x1  }
0x1c: {  	s24 =	simm.s32 $0x0;
	s23 =	sadd.s32 s5, s22  }
0x1d: {  	[tilespmem:s24], [sflag:$0x1] =	stream.linear.gather [hbm4b:s23+s24], $0x5000, $0x38;
	[tilespmem:$0x14080] =	vst v63  }
0x1e: {  	_ =	swait.ge [sflag:s14], $0x5000  }
0x1f: {  	[sflag:s14] =	ssyncset.done $0x0  }
0x20: {  	s22 =	sadd.s32 s6, s22;
	[sflag:s14] =	ssyncadd.s32 $0xFFFFB000  }
0x21: {  	[tilespmem:s16], [sflag:$0x1] =	stream.linear.gather [hbm4b:s22+s24], $0x5000, $0x38;
	[tilespmem:$0x14080] =	vst v63  }
0x22: {  	_ =	swait.ge [sflag:s14], $0x5000  }
0x23: {  	[sflag:s14] =	ssyncset.done $0x0  }
0x24: {  	s30 =	simm.s32 $0x0;
	[sflag:s14] =	ssyncadd.s32 $0xFFFFB000  }
0x25: {  	[tilespmem:s18], [sflag:$0x1] =	stream.indirect.gather [spmem:s3], $0x1, s30, s17, $0xb8;
	[tilespmem:$0x14080] =	vst v63  }
0x26: {  	_ =	swait.ge [sflag:s14], $0x80  }
0x27: {  	[sflag:s14] =	ssyncset.done $0x0  }
0x28: {  	s31 =	simm.s32 $0x5000;
	[sflag:s14] =	ssyncadd.s32 $0xFFFFFF80  }
0x29: {  	[spmem:s2] =	stream.indirect.scatter.add.f32 [tilespmem:s18], [sflag:$0x1], $0x1, s31, s17, $0xb8;
	[tilespmem:$0x14080] =	vst v63  }
0x2a: {  	_ =	swait.ge [sflag:s14], $0x80  }
0x2b: {  	s23 =	simm.s32 $0x400;
	s22 =	simm.s32 $0x200;
	[sflag:s14] =	ssyncset.done $0x0  }
.LBB2_3:
0x2c: {  	s24 =	sshra.s32 s22, $0x2  }
0x2d: {  	[sflag:s14] =	ssyncadd.s32 $0xFFFFFF80;
	s22 =	smov.u32 s23;
	s25 =	sadd.s32 $0x200, s23  }
0x2e: {  	[tilespmem:s18], [sflag:$0x1] =	stream.indirect.gather [spmem:s3], $0x1, s24, s17, $0xb8;
	[tilespmem:$0x14080] =	vst v63  }
0x2f: {  	p0 =	sne.s32 s23, $0x13E00;
	_ =	swait.ge [sflag:s14], $0x80  }
.Ltmp0:
0x30: {  	[sflag:s14] =	ssyncset.done $0x0;
	(pc) =	sbr.rel @p0 .LBB2_3-.Ltmp0, $4  }
0x31: {  	s23 =	sadd.s32 $0x5000, s24;
	[sflag:s14] =	ssyncadd.s32 $0xFFFFFF80  }
0x32: {  	[spmem:s2] =	stream.indirect.scatter.add.f32 [tilespmem:s18], [sflag:$0x1], $0x1, s23, s17, $0xb8;
	[tilespmem:$0x14080] =	vst v63  }
0x33: {  	_ =	swait.ge [sflag:s14], $0x80  }
0x34: {  	s23 =	smov.u32 s25;
	[sflag:s14] =	ssyncset.done $0x0  }
0x35: {  	s22 =	sshra.s32 s22, $0x2;
	[sflag:s14] =	ssyncadd.s32 $0xFFFFFF80  }
0x36: {  	[tilespmem:s18], [sflag:$0x1] =	stream.indirect.gather [spmem:s3], $0x1, s22, s17, $0xb8;
	[tilespmem:$0x14080] =	vst v63  }
0x37: {  	s21 =	sadd.s32 $0x1, s21;
	_ =	swait.ge [sflag:s14], $0x80  }
0x38: {  	p0 =	sne.s32 s21, $0x10;
	[sflag:s14] =	ssyncset.done $0x0  }
.Ltmp1:
0x39: {  	s22 =	sadd.s32 $0x5000, s22;
	[sflag:s14] =	ssyncadd.s32 $0xFFFFFF80;
	(pc) =	sbr.rel @p0 .LBB2_2-.Ltmp1, $4  }
0x3a: {  	[spmem:s2] =	stream.indirect.scatter.add.f32 [tilespmem:s18], [sflag:$0x1], $0x1, s22, s17, $0xb8;
	[tilespmem:$0x14080] =	vst v63  }
0x3b: {  	_ =	swait.ge [sflag:s14], $0x80  }
0x3c: {  	[sflag:s14] =	ssyncset.done $0x0  }
0x3d: {  	[sflag:s14] =	ssyncadd.s32 $0xFFFFFF80  }
0x3e: {  	s4 =	sadd.s32 $0x1, s4  }
0x3f: {  	p0 =	sne.s32 s4, s12  }
.Ltmp2:
0x40: {  	[bflag:$0x0] =	sbarrier.arrive $0xFFFF;
	(pc) =	sbr.rel @p0 .LBB2_1-.Ltmp2, $4  }
0x41: {  	[hbm:s11@s19], [sflag:s8] =	dma.strided [spmem:s13@s20], $0xA00, s14, $0x10   }
0x42: {  	_ =	swait.ge [sflag:s14], $0xA00  }
0x43: {  	[sflag:s14] =	ssyncset.done $0x0  }
0x44: {  	[sflag:s14] =	ssyncadd.s32 $0xFFFFF600  }
0x45: {  	_ =	sfence.sel $0x180000  }
0x46: {  	[bflag:$0x0] =	sbarrier.arrive $0xFFFF  }
0x47: {  	p0 =	sne.s32 s1, $0x0;
	_ =	strace $0x90000050  }
0x48: {  	s0 =	sadd.s32 @!p0 $0x100000, s0;
	[bflag:$0x2] =	sbarrier.arrive $0xFFFF  }
0x49: {  	[sflag:s0] =	ssyncadd.tile.s32 @!p0 $0x1;
	_ =	shalt  }
.Lfunc_end2:
_tile_overlayer_lowered:
.L_overlay_start_2:
0x4a: {  	(tag) =	ssettag $0x2  }
0x4b: {  	s0 =	rddreg [dreg:$0x0];
	s2 =	stileid.u32  }
0x4c: {  	s1 =	rddreg [dreg:$0x1];
	p0 =	sne.s32 s2, $0x0  }
0x4d: {  	s3 =	rddreg [dreg:$0x2];
	[bflag:$0x3] =	sbarrier.arrive $0xFFFF;
	s2 =	simm.s32 @!p0 $0x1C01  }
0x4e: {  	[timem:s3], [sflag:s2] =	dma.local @!p0 [hbm:s0], s1  }
0x4f: {  	s0 =	simm.s32 @!p0 $0x1  }
0x50: {  	_ =	swait.ge @!p0 [sflag:s0], s1  }
0x51: {  	s1 =	ssub.s32 @!p0 $0x0, s1;
	[sflag:s0] =	ssyncset.done @!p0 $0x0  }
0x52: {  	[sflag:s0] =	ssyncadd.s32 @!p0 s1  }
0x53: {  	[bflag:$0x3] =	sbarrier.arrive $0xFFFF  }
0x54: {  	_ =	shalt  }

// kernel: kernel.18.cloned.1.call-start
scs
__scs_entry_jumppad:
0x0: {  	(pc) =	sbr.rel $0x88, $3  }
0x1: {  	(tag) =	ssettag $0x0;
	lr =	simm.s32 $0x1  }
0x2: {  	[smem:$0x3F97] =	sst lr;
	_ =	strace $0xD0000000  }
0x3: {  	_ = 	snop  }
0x4: {  	_ = 	snop  }
0x5: {  	_ = 	snop  }
0x6: {  	_ = 	snop  }
0x7: {  	_ = 	snop  }
__scs_overlays_trampoline_lowered:
0x8: {  	[smem:$0x3FA6] =	sst s0  }
0x9: {  	[smem:$0x3FA7] =	sst s1  }
0xa: {  	[smem:$0x3FA8] =	sst s2  }
0xb: {  	[smem:$0x3FA9] =	sst s3  }
0xc: {  	[smem:$0x3FAA] =	sst s4  }
0xd: {  	[smem:$0x3FAB] =	sst s5  }
0xe: {  	[smem:$0x3FAC] =	sst s6  }
0xf: {  	[smem:$0x3FAD] =	sst s7  }
0x10: {  	[smem:$0x3FAE] =	sst s8  }
0x11: {  	[smem:$0x3FAF] =	sst s9;
	s0 =	simm.s32 @!p0 $0x0  }
0x12: {  	s1 =	sld [smem:$0x3F95];
	s0 =	simm.s32 @p0 $0x1  }
0x13: {  	[smem:$0x3FB0] =	sst s0;
	s0 =	simm.s32 @!p1 $0x0  }
0x14: {  	s2 =	sld [smem:$0x3F94];
	s0 =	simm.s32 @p1 $0x1  }
0x15: {  	[smem:$0x3FB1] =	sst s0;
	s0 =	simm.s32 @!p2 $0x0  }
0x16: {  	s3 =	sld [smem:$0x3FDB];
	s0 =	simm.s32 @p2 $0x1  }
0x17: {  	s4 =	simm.s32 $0x1BF5;
	[smem:$0x3FB3] =	sst s0  }
0x18: {  	s0 =	sld [smem:$0x3F96];
	_ =	swait.ge [sflag:s4], $0x0  }
0x19: {  	s7 =	sld [smem:$0x3F97]  }
0x1a: {  	s8 =	sadd.s32 $0xFFFFE003, lr  }
0x1b: {  	s9 =	sadd.s32 $0xFFFFFEF7, lr;
	s5 =	simm.s32 $0xFFFFFFFF;
	p2 =	slt.u32 s8, $0xFFFFF086  }
0x1c: {  	p1 =	slt.u32 s9, $0xF7A;
	s5 =	simm.s32 @!p2 $0x0  }
0x1d: {  	s5 =	simm.s32 @p1 $0x1;
	p0 =	seq.s32 s7, s2  }
0x1e: {  	s7 =	smul.u32 @!p0 $0xF7A, s2;
	p2 =	seq.s32 @!p0 s5, $0x0  }
0x1f: {  	s9 =	smul.u32 $0xF7A, s1;
	s8 =	simm.s32 @!p0 $0x1BF5;
	p2 =	por !p2, p0  }
0x20: {  	[sflag:s8] =	ssyncset.s32 @!p0 $0xFFFFF086;
	s6 =	sadd.s32 @!p0 s3, s7;
	s7 =	simm.s32 @!p0 $0x108  }
0x21: {  	s3 =	sadd.s32 s3, s9;
	s6 =	sadd.s32 @!p0 $0x88, s6;
	s7 =	simm.s32 @p2 $0x1082  }
0x22: {  	[simem:s7], [sflag:s8] =	dma.local @!p0 [hbm:s6], $0xF7A  }
0x23: {  	s9 =	sor.u32 $0xD0000000, s2;
	s6 =	simm.s32 $0x108;
	_ =	swait.ge @!p0 [sflag:s8], $0x0  }
0x24: {  	s3 =	sadd.s32 $0x88, s3;
	s6 =	simm.s32 @!p1 $0x1082;
	[sflag:s4] =	ssyncset.s32 $0xFFFFF086  }
0x25: {  	[simem:s6], [sflag:s4] =	dma.local [hbm:s3], $0xF7A  }
0x26: {  	[smem:$0x3F97] =	sst s1;
	(tag) =	ssettag s2;
	_ =	strace s9  }
0x27: {  	s1 =	sld [smem:$0x3FA7]  }
0x28: {  	s2 =	sld [smem:$0x3FA8]  }
0x29: {  	s4 =	sld [smem:$0x3FAA]  }
0x2a: {  	p0 =	seq.s32 s5, $0x0;
	s5 =	sld [smem:$0x3FAB]  }
0x2b: {  	s6 =	sld [smem:$0x3FAC]  }
0x2c: {  	s7 =	sld [smem:$0x3FAD]  }
0x2d: {  	s3 =	simm.s32 $0x108;
	s8 =	sld [smem:$0x3FAE]  }
0x2e: {  	s3 =	simm.s32 @!p0 $0x1082;
	s9 =	sld [smem:$0x3FAF]  }
0x2f: {  	lr =	sadd.s32 s0, s3;
	s0 =	sld [smem:$0x3FA6]  }
0x30: {  	s3 =	sld [smem:$0x3FA9]  }
0x31: {  	[smem:$0x3FB2] =	sst s10  }
0x32: {  	s10 =	sld [smem:$0x3FB0];
	_ =	sdelay $0x3  }
0x33: {  	p0 =	seq.s32 s10, $0x1;
	s10 =	sld [smem:$0x3FB2];
	_ =	sdelay $0x3  }
0x34: {  	[smem:$0x3FB2] =	sst s10  }
0x35: {  	s10 =	sld [smem:$0x3FB1];
	_ =	sdelay $0x3  }
0x36: {  	p1 =	seq.s32 s10, $0x1;
	s10 =	sld [smem:$0x3FB2];
	_ =	sdelay $0x3  }
0x37: {  	[smem:$0x3FB2] =	sst s10  }
0x38: {  	s10 =	sld [smem:$0x3FB3]  }
0x39: {  	_ = 	snop;
	(pc) =	sbr.ind lr, $3  }
0x3a: {  	_ = 	snop  }
0x3b: {  	_ = 	snop  }
0x3c: {  	p2 =	seq.s32 s10, $0x1;
	s10 =	sld [smem:$0x3FB2]  }
0x3d: {  	_ =	shalt  }
0x3e: {  	_ =	shalt  }
0x3f: {  	_ =	shalt  }
0x40: {  	_ =	shalt  }
0x41: {  	_ =	shalt  }
0x42: {  	_ =	shalt  }
0x43: {  	_ =	shalt  }
0x44: {  	_ =	shalt  }
0x45: {  	_ =	shalt  }
0x46: {  	_ =	shalt  }
0x47: {  	_ =	shalt  }
0x48: {  	_ =	shalt  }
0x49: {  	_ =	shalt  }
0x4a: {  	_ =	shalt  }
0x4b: {  	_ =	shalt  }
0x4c: {  	_ =	shalt  }
0x4d: {  	_ =	shalt  }
0x4e: {  	_ =	shalt  }
0x4f: {  	_ =	shalt  }
0x50: {  	_ =	shalt  }
0x51: {  	_ =	shalt  }
0x52: {  	_ =	shalt  }
0x53: {  	_ =	shalt  }
0x54: {  	_ =	shalt  }
0x55: {  	_ =	shalt  }
0x56: {  	_ =	shalt  }
0x57: {  	_ =	shalt  }
0x58: {  	_ =	shalt  }
0x59: {  	_ =	shalt  }
0x5a: {  	_ =	shalt  }
0x5b: {  	_ =	shalt  }
0x5c: {  	_ =	shalt  }
0x5d: {  	_ =	shalt  }
0x5e: {  	_ =	shalt  }
0x5f: {  	_ =	shalt  }
0x60: {  	_ =	shalt  }
0x61: {  	_ =	shalt  }
0x62: {  	_ =	shalt  }
0x63: {  	_ =	shalt  }
0x64: {  	_ =	shalt  }
0x65: {  	_ =	shalt  }
0x66: {  	_ =	shalt  }
0x67: {  	_ =	shalt  }
0x68: {  	_ =	shalt  }
0x69: {  	_ =	shalt  }
0x6a: {  	_ =	shalt  }
0x6b: {  	_ =	shalt  }
0x6c: {  	_ =	shalt  }
0x6d: {  	_ =	shalt  }
0x6e: {  	_ =	shalt  }
0x6f: {  	_ =	shalt  }
0x70: {  	_ =	shalt  }
0x71: {  	_ =	shalt  }
0x72: {  	_ =	shalt  }
0x73: {  	_ =	shalt  }
0x74: {  	_ =	shalt  }
0x75: {  	_ =	shalt  }
0x76: {  	_ =	shalt  }
0x77: {  	_ =	shalt  }
0x78: {  	_ =	shalt  }
0x79: {  	_ =	shalt  }
0x7a: {  	_ =	shalt  }
0x7b: {  	_ =	shalt  }
0x7c: {  	_ =	shalt  }
0x7d: {  	_ =	shalt  }
0x7e: {  	_ =	shalt  }
0x7f: {  	_ =	shalt  }
0x80: {  	_ =	shalt  }
0x81: {  	_ =	shalt  }
0x82: {  	_ =	shalt  }
0x83: {  	_ =	shalt  }
0x84: {  	_ =	shalt  }
0x85: {  	_ =	shalt  }
0x86: {  	_ =	shalt  }
0x87: {  	_ =	shalt  }
.Lfunc_end0:
.L_simem_size_0:
called_computation.5_lowered:
.L_overlay_start_0:
0x88: {  	s2 =	sld [smem:$0x3FD9]  }
0x89: {  	s3 =	sld [smem:$0x3FFE];
	_ =	sdelay $0x1  }
0x8a: {  	s1 =	srdreg.scid  }
0x8b: {  	s0 =	sand.u32 $0x1, s1  }
0x8c: {  	s17 =	sshll.u32 s0, $0xA;
	s2 =	sadd.s32 s3, s2  }
0x8d: {  	s2 =	sadd.s32 s2, s17  }
0x8e: {  	[smem:$0x3FBE] =	sst s2  }
0x8f: {  	_ = 	snop  }
0x90: {  	(tm) =	ssettm $0x1  }
0x91: {  	s18 =	sld [smem:$0x3FFB];
	_ =	sdelay $0x3  }
0x92: {  	_ =	strace s18  }
0x93: {  	s2 =	sld [smem:$0x3FFC];
	_ =	sdelay $0x3  }
0x94: {  	_ =	strace s2  }
0x95: {  	s2 =	sld [smem:$0x3FFD];
	_ =	sdelay $0x3  }
0x96: {  	_ =	strace s2  }
0x97: {  	_ =	strace $0x8FFFFFFF  }
0x98: {  	s19 =	sld [smem:$0x3FDB];
	_ =	sdelay $0x1  }
0x99: {  	s20 =	simm.s32 $_scs_section_size  }
0x9a: {  	s4 =	simm.s32 $_size__tile_overlayer_lowered;
	s5 =	simm.s32 $_tile_overlayer_lowered  }
0x9b: {  	s6 =	simm.s32 $0x1BFF;
	s21 =	sshll.u32 s5, $0x1;
	s3 =	sadd.s32 s20, s19  }
0x9c: {  	s22 =	simm.s32 $0x0;
	s4 =	sshll.u32 s4, $0x1;
	s5 =	sadd.s32 s21, s3  }
0x9d: {  	[timem:s22], [sflag:s6] =	dma.local [hbm:s5], s4  }
0x9e: {  	_ =	swait.ge [sflag:s6], s4  }
0x9f: {  	s4 =	ssub.s32 $0x0, s4;
	[sflag:s6] =	ssyncset.done $0x0  }
0xa0: {  	[sflag:s6] =	ssyncadd.s32 s4;
	_ =	sdelay $0x1  }
0xa1: {  	s23 =	simm.s32 $0x1B8B  }
0xa2: {  	_ =	swait.ge [sflag:s23], $0x1  }
0xa3: {  	[sflag:s23] =	ssyncset.done $0x0  }
0xa4: {  	[sflag:s23] =	ssyncadd.s32 $0xFFFFFFFF  }
0xa5: {  	s4 =	sld [smem:$0x0]  }
0xa6: {  	s5 =	sand.u32 $0xFFFFFFFE, s1  }
0xa7: {  	p0 =	sne.s32 s1, s5  }
0xa8: {  	s5 =	sshll.u32 @p0 s5, $0xE  }
0xa9: {  	s5 =	sadd.s32 @p0 $0x11B8D, s5;
	s6 =	sshll.u32 @p0 s4, $0x11  }
0xaa: {  	s5 =	sor.u32 @p0 s6, s5  }
0xab: {  	[sflag:s5] =	ssyncadd.remote.s32 @p0 $0x1;
	_ =	sdelay $0x1  }
0xac: {  	s5 =	simm.s32 @p0 $0x1B8D  }
0xad: {  	_ =	swait.eq @p0 [sflag:s5], $0x1  }
0xae: {  	[sflag:s5] =	ssyncadd.s32 @p0 $0xFFFFFFFF  }
0xaf: {  	s6 =	sshll.u32 @!p0 s1, $0xE  }
0xb0: {  	s6 =	sor.u32 @!p0 $0x4000, s6;
	s5 =	simm.s32 @!p0 $0x1B8D  }
0xb1: {  	s4 =	sshll.u32 @!p0 s4, $0x11;
	s6 =	sadd.s32 @!p0 $0x11B8D, s6;
	_ =	swait.eq @!p0 [sflag:s5], $0x1  }
0xb2: {  	s4 =	sor.u32 @!p0 s4, s6;
	[sflag:s5] =	ssyncadd.s32 @!p0 $0xFFFFFFFF  }
0xb3: {  	s25 =	simm.s32 $0x1B8E;
	s24 =	sld [smem:$0x3FFE];
	[sflag:s4] =	ssyncadd.remote.s32 @!p0 $0x1  }
0xb4: {  	s26 =	simm.s32 $execute0_lowered;
	[smem:$0x3FD2] =	sst s25  }
0xb5: {  	s5 =	sshll.u32 s26, $0x1;
	_ =	strace $0x80000055;
	[dreg:$0x1] =	wrdreg $0xFFFFFFFF  }
0xb6: {  	s28 =	simm.s32 $_size_execute0_lowered;
	s3 =	sadd.s32 s3, s5;
	[dreg:$0x0] =	wrdreg $0x0  }
0xb7: {  	s5 =	sshll.u32 s28, $0x1;
	[dreg:$0x2] =	wrdreg s3  }
0xb8: {  	[dreg:$0x3] =	wrdreg s5  }
0xb9: {  	[dreg:$0x4] =	wrdreg $0xC0  }
0xba: {  	_ =	task [dreg:s22], $0x5FFFF  }
0xbb: {  	[dreg:$0x1] =	wrdreg $0xFFFFFFFF  }
0xbc: {  	[dreg:$0x0] =	wrdreg $0x60  }
0xbd: {  	[dreg:$0x2] =	wrdreg s24  }
0xbe: {  	[dreg:$0x3] =	wrdreg $0xA0800  }
0xbf: {  	[dreg:$0x4] =	wrdreg $0xF0800  }
0xc0: {  	[dreg:$0x5] =	wrdreg $0xA  }
0xc1: {  	_ =	task.clear_ibuf [dreg:s22], $0x6FFFF;
	_ =	strace $0x90000055  }
0xc2: {  	s29 =	simm.s32 $0xA;
	_ =	strace $0x80000057  }
0xc3: {  	_ =	swait.ge [sflag:s29], $0x1  }
0xc4: {  	[sflag:s29] =	ssyncadd.s32 $0xFFFFFFFF  }
0xc5: {  	_ =	strace $0x90000057  }
0xc6: {  	_ =	sfence  }
0xc7: {  	s30 =	sld [smem:$0x0];
	_ =	sdelay $0x2  }
0xc8: {  	s31 =	sshll.u32 s1, $0xD;
	s1 =	sshrl.u32 s1, $0x2  }
0xc9: {  	s4 =	sand.u32 $0x4000, s31;
	s1 =	sadd.s32 s1, s30  }
0xca: {  	s0 =	sor.u32 s4, s0;
	s1 =	sshll.u32 s1, $0x11  }
0xcb: {  	s0 =	sor.u32 s1, s0  }
0xcc: {  	s0 =	sadd.s32 $0x8F2B, s0  }
0xcd: {  	[sflag:s0] =	ssyncadd.remote.s32 $0x1  }
0xce: {  	_ =	sfence.sel $0xFFFF  }
0xcf: {  	[dreg:$0x0] =	wrdreg $0xFFFFFFFF;
	(pc) =	sbr.abs _section_cstart, $3  }
0xd0: {  	[dreg:$0x1] =	wrdreg $0xFFFFFFFF  }
0xd1: {  	_ =	task.clear_ibuf [dreg:s22], $0x2FFFF;
	_ =	strace $0x9FFFFFFF  }
0xd2: {  	(tm) =	ssettm $0x7FFFFFFF  }
0xd3: {  	_ =	shalt  }
tec
execute0_lowered:
.L_overlay_start_1:
0x0: {  	(tag) =	ssettag $0x1  }
0x1: {  	s7 =	rddreg [dreg:$0x0]  }
0x2: {  	s2 =	rddreg [dreg:$0x1]  }
0x3: {  	s3 =	rddreg [dreg:$0x2]  }
0x4: {  	s1 =	stileid.u32;
	s0 =	rddreg [dreg:$0x3];
	s4 =	simm.s32 $0x0  }
0x5: {  	s5 =	srdreg.scid;
	s17 =	simm.s32 $0x80;
	s18 =	simm.s32 $0xA000  }
0x6: {  	s19 =	simm.s32 $0x20;
	s20 =	simm.s32 $0x10;
	s9 =	smul.u32 $0x5000, s1  }
0x7: {  	[smem:$0x7FF] =	sst s4;
	s10 =	sand.u32 $0x1, s5;
	s8 =	smul.u32 $0xA000, s1  }
0x8: {  	s5 =	sadd.s32 $0xD800, s7;
	s30 =	sshll.u32 s1, $0x6;
	s16 =	sshll.u32 s1, $0x5  }
0x9: {  	_ =	strace $0x80000056;
	s29 =	sshll.u32 s10, $0x7;
	s12 =	ssub.s32 $0x2, s10  }
0xa: {  	s10 =	sshll.u32 s10, $0x4;
	s6 =	sshrl.u32 s9, $0x3;
	s8 =	sor.u32 s29, s8  }
0xb: {  	s13 =	sshrl.u32 s12, $0x1;
	s31 =	sadd.s32 s9, s2;
	s15 =	sadd.s32 s9, s3  }
0xc: {  	s10 =	sor.u32 s10, s16;
	s16 =	simm.s32 $0x5000;
	s11 =	sadd.s32 s6, s7  }
0xd: {  	s6 =	sadd.s32 $0x296400, s7;
	s8 =	sshrl.u32 s8, $0x3;
	s12 =	ssub.s32 s12, s13  }
0xe: {  	s13 =	sshrl.u32 s31, $0x3;
	s14 =	sadd.s32 s8, s7;
	s7 =	sadd.s32 $0x408400, s11  }
0xf: {  	s15 =	sshrl.u32 s15, $0x3;
	s8 =	sor.u32 $0x1C01, s30;
	s9 =	sadd.s32 $0x3FE400, s11  }
0x10: {  	s12 =	smax.u32 s12, $0x1;
	s11 =	sadd.s32 $0x412400, s14;
	s14 =	simm.s32 $0x1  }
.LBB2_1:
0x11: {  	[spmem:s13], [sflag:s8] =	dma.local [hbm:s7], $0xA00  }
0x12: {  	_ =	swait.ge [sflag:s14], $0xA00  }
0x13: {  	[sflag:s14] =	ssyncset.done $0x0  }
0x14: {  	[sflag:s14] =	ssyncadd.s32 $0xFFFFF600  }
0x15: {  	[spmem:s15], [sflag:s8] =	dma.local [hbm:s9], $0xA00  }
0x16: {  	_ =	swait.ge [sflag:s14], $0xA00  }
0x17: {  	[sflag:s14] =	ssyncset.done $0x0  }
0x18: {  	[sflag:s14] =	ssyncadd.s32 $0xFFFFF600  }
0x19: {  	s21 =	simm.s32 $0x0;
	[bflag:$0x0] =	sbarrier.arrive $0xFFFF  }
.LBB2_2:
0x1a: {  	s22 =	sadd.s32 s10, s21  }
0x1b: {  	s22 =	smul.u32 $0xA00, s22;
	_ =	sdelay $0x1  }
0x1c: {  	s24 =	simm.s32 $0x0;
	s23 =	sadd.s32 s5, s22  }
0x1d: {  	[tilespmem:s24], [sflag:$0x1] =	stream.linear.gather [hbm4b:s23+s24], $0x5000, $0x38;
	[tilespmem:$0x14080] =	vst v63  }
0x1e: {  	_ =	swait.ge [sflag:s14], $0x5000  }
0x1f: {  	[sflag:s14] =	ssyncset.done $0x0  }
0x20: {  	s22 =	sadd.s32 s6, s22;
	[sflag:s14] =	ssyncadd.s32 $0xFFFFB000  }
0x21: {  	[tilespmem:s16], [sflag:$0x1] =	stream.linear.gather [hbm4b:s22+s24], $0x5000, $0x38;
	[tilespmem:$0x14080] =	vst v63  }
0x22: {  	_ =	swait.ge [sflag:s14], $0x5000  }
0x23: {  	[sflag:s14] =	ssyncset.done $0x0  }
0x24: {  	s30 =	simm.s32 $0x0;
	[sflag:s14] =	ssyncadd.s32 $0xFFFFB000  }
0x25: {  	[tilespmem:s18], [sflag:$0x1] =	stream.indirect.gather [spmem:s3], $0x1, s30, s17, $0xb8;
	[tilespmem:$0x14080] =	vst v63  }
0x26: {  	_ =	swait.ge [sflag:s14], $0x80  }
0x27: {  	[sflag:s14] =	ssyncset.done $0x0  }
0x28: {  	s31 =	simm.s32 $0x5000;
	[sflag:s14] =	ssyncadd.s32 $0xFFFFFF80  }
0x29: {  	[spmem:s2] =	stream.indirect.scatter.add.f32 [tilespmem:s18], [sflag:$0x1], $0x1, s31, s17, $0xb8;
	[tilespmem:$0x14080] =	vst v63  }
0x2a: {  	_ =	swait.ge [sflag:s14], $0x80  }
0x2b: {  	s23 =	simm.s32 $0x400;
	s22 =	simm.s32 $0x200;
	[sflag:s14] =	ssyncset.done $0x0  }
.LBB2_3:
0x2c: {  	s24 =	sshra.s32 s22, $0x2  }
0x2d: {  	[sflag:s14] =	ssyncadd.s32 $0xFFFFFF80;
	s22 =	smov.u32 s23;
	s25 =	sadd.s32 $0x200, s23  }
0x2e: {  	[tilespmem:s18], [sflag:$0x1] =	stream.indirect.gather [spmem:s3], $0x1, s24, s17, $0xb8;
	[tilespmem:$0x14080] =	vst v63  }
0x2f: {  	p0 =	sne.s32 s23, $0x13E00;
	_ =	swait.ge [sflag:s14], $0x80  }
.Ltmp0:
0x30: {  	[sflag:s14] =	ssyncset.done $0x0;
	(pc) =	sbr.rel @p0 .LBB2_3-.Ltmp0, $4  }
0x31: {  	s23 =	sadd.s32 $0x5000, s24;
	[sflag:s14] =	ssyncadd.s32 $0xFFFFFF80  }
0x32: {  	[spmem:s2] =	stream.indirect.scatter.add.f32 [tilespmem:s18], [sflag:$0x1], $0x1, s23, s17, $0xb8;
	[tilespmem:$0x14080] =	vst v63  }
0x33: {  	_ =	swait.ge [sflag:s14], $0x80  }
0x34: {  	s23 =	smov.u32 s25;
	[sflag:s14] =	ssyncset.done $0x0  }
0x35: {  	s22 =	sshra.s32 s22, $0x2;
	[sflag:s14] =	ssyncadd.s32 $0xFFFFFF80  }
0x36: {  	[tilespmem:s18], [sflag:$0x1] =	stream.indirect.gather [spmem:s3], $0x1, s22, s17, $0xb8;
	[tilespmem:$0x14080] =	vst v63  }
0x37: {  	s21 =	sadd.s32 $0x1, s21;
	_ =	swait.ge [sflag:s14], $0x80  }
0x38: {  	p0 =	sne.s32 s21, $0x10;
	[sflag:s14] =	ssyncset.done $0x0  }
.Ltmp1:
0x39: {  	s22 =	sadd.s32 $0x5000, s22;
	[sflag:s14] =	ssyncadd.s32 $0xFFFFFF80;
	(pc) =	sbr.rel @p0 .LBB2_2-.Ltmp1, $4  }
0x3a: {  	[spmem:s2] =	stream.indirect.scatter.add.f32 [tilespmem:s18], [sflag:$0x1], $0x1, s22, s17, $0xb8;
	[tilespmem:$0x14080] =	vst v63  }
0x3b: {  	_ =	swait.ge [sflag:s14], $0x80  }
0x3c: {  	[sflag:s14] =	ssyncset.done $0x0  }
0x3d: {  	[sflag:s14] =	ssyncadd.s32 $0xFFFFFF80  }
0x3e: {  	s4 =	sadd.s32 $0x1, s4  }
0x3f: {  	p0 =	sne.s32 s4, s12  }
.Ltmp2:
0x40: {  	[bflag:$0x0] =	sbarrier.arrive $0xFFFF;
	(pc) =	sbr.rel @p0 .LBB2_1-.Ltmp2, $4  }
0x41: {  	[hbm:s11@s19], [sflag:s8] =	dma.strided [spmem:s13@s20], $0xA00, s14, $0x10   }
0x42: {  	_ =	swait.ge [sflag:s14], $0xA00  }
0x43: {  	[sflag:s14] =	ssyncset.done $0x0  }
0x44: {  	[sflag:s14] =	ssyncadd.s32 $0xFFFFF600  }
0x45: {  	_ =	sfence.sel $0x180000  }
0x46: {  	[bflag:$0x0] =	sbarrier.arrive $0xFFFF  }
0x47: {  	p0 =	sne.s32 s1, $0x0;
	_ =	strace $0x90000056  }
0x48: {  	s0 =	sadd.s32 @!p0 $0x100000, s0;
	[bflag:$0x2] =	sbarrier.arrive $0xFFFF  }
0x49: {  	[sflag:s0] =	ssyncadd.tile.s32 @!p0 $0x1;
	_ =	shalt  }
.Lfunc_end2:
_tile_overlayer_lowered:
.L_overlay_start_2:
0x4a: {  	(tag) =	ssettag $0x2  }
0x4b: {  	s0 =	rddreg [dreg:$0x0];
	s2 =	stileid.u32  }
0x4c: {  	s1 =	rddreg [dreg:$0x1];
	p0 =	sne.s32 s2, $0x0  }
0x4d: {  	s3 =	rddreg [dreg:$0x2];
	[bflag:$0x3] =	sbarrier.arrive $0xFFFF;
	s2 =	simm.s32 @!p0 $0x1C01  }
0x4e: {  	[timem:s3], [sflag:s2] =	dma.local @!p0 [hbm:s0], s1  }
0x4f: {  	s0 =	simm.s32 @!p0 $0x1  }
0x50: {  	_ =	swait.ge @!p0 [sflag:s0], s1  }
0x51: {  	s1 =	ssub.s32 @!p0 $0x0, s1;
	[sflag:s0] =	ssyncset.done @!p0 $0x0  }
0x52: {  	[sflag:s0] =	ssyncadd.s32 @!p0 s1  }
0x53: {  	[bflag:$0x3] =	sbarrier.arrive $0xFFFF  }
0x54: {  	_ =	shalt  }

// kernel: kernel.9.cloned.1.call-start
scs
__scs_entry_jumppad:
0x0: {  	(pc) =	sbr.rel $0x88, $3  }
0x1: {  	(tag) =	ssettag $0x0;
	lr =	simm.s32 $0x1  }
0x2: {  	[smem:$0x3F97] =	sst lr;
	_ =	strace $0xD0000000  }
0x3: {  	_ = 	snop  }
0x4: {  	_ = 	snop  }
0x5: {  	_ = 	snop  }
0x6: {  	_ = 	snop  }
0x7: {  	_ = 	snop  }
__scs_overlays_trampoline_lowered:
0x8: {  	[smem:$0x3FA6] =	sst s0  }
0x9: {  	[smem:$0x3FA7] =	sst s1  }
0xa: {  	[smem:$0x3FA8] =	sst s2  }
0xb: {  	[smem:$0x3FA9] =	sst s3  }
0xc: {  	[smem:$0x3FAA] =	sst s4  }
0xd: {  	[smem:$0x3FAB] =	sst s5  }
0xe: {  	[smem:$0x3FAC] =	sst s6  }
0xf: {  	[smem:$0x3FAD] =	sst s7  }
0x10: {  	[smem:$0x3FAE] =	sst s8  }
0x11: {  	[smem:$0x3FAF] =	sst s9;
	s0 =	simm.s32 @!p0 $0x0  }
0x12: {  	s1 =	sld [smem:$0x3F95];
	s0 =	simm.s32 @p0 $0x1  }
0x13: {  	[smem:$0x3FB0] =	sst s0;
	s0 =	simm.s32 @!p1 $0x0  }
0x14: {  	s2 =	sld [smem:$0x3F94];
	s0 =	simm.s32 @p1 $0x1  }
0x15: {  	[smem:$0x3FB1] =	sst s0;
	s0 =	simm.s32 @!p2 $0x0  }
0x16: {  	s3 =	sld [smem:$0x3FDB];
	s0 =	simm.s32 @p2 $0x1  }
0x17: {  	s4 =	simm.s32 $0x1BF5;
	[smem:$0x3FB3] =	sst s0  }
0x18: {  	s0 =	sld [smem:$0x3F96];
	_ =	swait.ge [sflag:s4], $0x0  }
0x19: {  	s7 =	sld [smem:$0x3F97]  }
0x1a: {  	s8 =	sadd.s32 $0xFFFFE003, lr  }
0x1b: {  	s9 =	sadd.s32 $0xFFFFFEF7, lr;
	s5 =	simm.s32 $0xFFFFFFFF;
	p2 =	slt.u32 s8, $0xFFFFF086  }
0x1c: {  	p1 =	slt.u32 s9, $0xF7A;
	s5 =	simm.s32 @!p2 $0x0  }
0x1d: {  	s5 =	simm.s32 @p1 $0x1;
	p0 =	seq.s32 s7, s2  }
0x1e: {  	s7 =	smul.u32 @!p0 $0xF7A, s2;
	p2 =	seq.s32 @!p0 s5, $0x0  }
0x1f: {  	s9 =	smul.u32 $0xF7A, s1;
	s8 =	simm.s32 @!p0 $0x1BF5;
	p2 =	por !p2, p0  }
0x20: {  	[sflag:s8] =	ssyncset.s32 @!p0 $0xFFFFF086;
	s6 =	sadd.s32 @!p0 s3, s7;
	s7 =	simm.s32 @!p0 $0x108  }
0x21: {  	s3 =	sadd.s32 s3, s9;
	s6 =	sadd.s32 @!p0 $0x88, s6;
	s7 =	simm.s32 @p2 $0x1082  }
0x22: {  	[simem:s7], [sflag:s8] =	dma.local @!p0 [hbm:s6], $0xF7A  }
0x23: {  	s9 =	sor.u32 $0xD0000000, s2;
	s6 =	simm.s32 $0x108;
	_ =	swait.ge @!p0 [sflag:s8], $0x0  }
0x24: {  	s3 =	sadd.s32 $0x88, s3;
	s6 =	simm.s32 @!p1 $0x1082;
	[sflag:s4] =	ssyncset.s32 $0xFFFFF086  }
0x25: {  	[simem:s6], [sflag:s4] =	dma.local [hbm:s3], $0xF7A  }
0x26: {  	[smem:$0x3F97] =	sst s1;
	(tag) =	ssettag s2;
	_ =	strace s9  }
0x27: {  	s1 =	sld [smem:$0x3FA7]  }
0x28: {  	s2 =	sld [smem:$0x3FA8]  }
0x29: {  	s4 =	sld [smem:$0x3FAA]  }
0x2a: {  	p0 =	seq.s32 s5, $0x0;
	s5 =	sld [smem:$0x3FAB]  }
0x2b: {  	s6 =	sld [smem:$0x3FAC]  }
0x2c: {  	s7 =	sld [smem:$0x3FAD]  }
0x2d: {  	s3 =	simm.s32 $0x108;
	s8 =	sld [smem:$0x3FAE]  }
0x2e: {  	s3 =	simm.s32 @!p0 $0x1082;
	s9 =	sld [smem:$0x3FAF]  }
0x2f: {  	lr =	sadd.s32 s0, s3;
	s0 =	sld [smem:$0x3FA6]  }
0x30: {  	s3 =	sld [smem:$0x3FA9]  }
0x31: {  	[smem:$0x3FB2] =	sst s10  }
0x32: {  	s10 =	sld [smem:$0x3FB0];
	_ =	sdelay $0x3  }
0x33: {  	p0 =	seq.s32 s10, $0x1;
	s10 =	sld [smem:$0x3FB2];
	_ =	sdelay $0x3  }
0x34: {  	[smem:$0x3FB2] =	sst s10  }
0x35: {  	s10 =	sld [smem:$0x3FB1];
	_ =	sdelay $0x3  }
0x36: {  	p1 =	seq.s32 s10, $0x1;
	s10 =	sld [smem:$0x3FB2];
	_ =	sdelay $0x3  }
0x37: {  	[smem:$0x3FB2] =	sst s10  }
0x38: {  	s10 =	sld [smem:$0x3FB3]  }
0x39: {  	_ = 	snop;
	(pc) =	sbr.ind lr, $3  }
0x3a: {  	_ = 	snop  }
0x3b: {  	_ = 	snop  }
0x3c: {  	p2 =	seq.s32 s10, $0x1;
	s10 =	sld [smem:$0x3FB2]  }
0x3d: {  	_ =	shalt  }
0x3e: {  	_ =	shalt  }
0x3f: {  	_ =	shalt  }
0x40: {  	_ =	shalt  }
0x41: {  	_ =	shalt  }
0x42: {  	_ =	shalt  }
0x43: {  	_ =	shalt  }
0x44: {  	_ =	shalt  }
0x45: {  	_ =	shalt  }
0x46: {  	_ =	shalt  }
0x47: {  	_ =	shalt  }
0x48: {  	_ =	shalt  }
0x49: {  	_ =	shalt  }
0x4a: {  	_ =	shalt  }
0x4b: {  	_ =	shalt  }
0x4c: {  	_ =	shalt  }
0x4d: {  	_ =	shalt  }
0x4e: {  	_ =	shalt  }
0x4f: {  	_ =	shalt  }
0x50: {  	_ =	shalt  }
0x51: {  	_ =	shalt  }
0x52: {  	_ =	shalt  }
0x53: {  	_ =	shalt  }
0x54: {  	_ =	shalt  }
0x55: {  	_ =	shalt  }
0x56: {  	_ =	shalt  }
0x57: {  	_ =	shalt  }
0x58: {  	_ =	shalt  }
0x59: {  	_ =	shalt  }
0x5a: {  	_ =	shalt  }
0x5b: {  	_ =	shalt  }
0x5c: {  	_ =	shalt  }
0x5d: {  	_ =	shalt  }
0x5e: {  	_ =	shalt  }
0x5f: {  	_ =	shalt  }
0x60: {  	_ =	shalt  }
0x61: {  	_ =	shalt  }
0x62: {  	_ =	shalt  }
0x63: {  	_ =	shalt  }
0x64: {  	_ =	shalt  }
0x65: {  	_ =	shalt  }
0x66: {  	_ =	shalt  }
0x67: {  	_ =	shalt  }
0x68: {  	_ =	shalt  }
0x69: {  	_ =	shalt  }
0x6a: {  	_ =	shalt  }
0x6b: {  	_ =	shalt  }
0x6c: {  	_ =	shalt  }
0x6d: {  	_ =	shalt  }
0x6e: {  	_ =	shalt  }
0x6f: {  	_ =	shalt  }
0x70: {  	_ =	shalt  }
0x71: {  	_ =	shalt  }
0x72: {  	_ =	shalt  }
0x73: {  	_ =	shalt  }
0x74: {  	_ =	shalt  }
0x75: {  	_ =	shalt  }
0x76: {  	_ =	shalt  }
0x77: {  	_ =	shalt  }
0x78: {  	_ =	shalt  }
0x79: {  	_ =	shalt  }
0x7a: {  	_ =	shalt  }
0x7b: {  	_ =	shalt  }
0x7c: {  	_ =	shalt  }
0x7d: {  	_ =	shalt  }
0x7e: {  	_ =	shalt  }
0x7f: {  	_ =	shalt  }
0x80: {  	_ =	shalt  }
0x81: {  	_ =	shalt  }
0x82: {  	_ =	shalt  }
0x83: {  	_ =	shalt  }
0x84: {  	_ =	shalt  }
0x85: {  	_ =	shalt  }
0x86: {  	_ =	shalt  }
0x87: {  	_ =	shalt  }
.Lfunc_end0:
.L_simem_size_0:
called_computation.2_lowered:
.L_overlay_start_0:
0x88: {  	s2 =	sld [smem:$0x3FD9]  }
0x89: {  	s3 =	sld [smem:$0x3FFE];
	_ =	sdelay $0x1  }
0x8a: {  	s1 =	srdreg.scid  }
0x8b: {  	s0 =	sand.u32 $0x1, s1  }
0x8c: {  	s17 =	sshll.u32 s0, $0xA;
	s2 =	sadd.s32 s3, s2  }
0x8d: {  	s2 =	sadd.s32 s2, s17  }
0x8e: {  	[smem:$0x3FBE] =	sst s2  }
0x8f: {  	_ = 	snop  }
0x90: {  	(tm) =	ssettm $0x1  }
0x91: {  	s18 =	sld [smem:$0x3FFB];
	_ =	sdelay $0x3  }
0x92: {  	_ =	strace s18  }
0x93: {  	s2 =	sld [smem:$0x3FFC];
	_ =	sdelay $0x3  }
0x94: {  	_ =	strace s2  }
0x95: {  	s2 =	sld [smem:$0x3FFD];
	_ =	sdelay $0x3  }
0x96: {  	_ =	strace s2  }
0x97: {  	_ =	strace $0x8FFFFFFF  }
0x98: {  	s19 =	sld [smem:$0x3FDB];
	_ =	sdelay $0x1  }
0x99: {  	s20 =	simm.s32 $_scs_section_size  }
0x9a: {  	s4 =	simm.s32 $_size__tile_overlayer_lowered;
	s5 =	simm.s32 $_tile_overlayer_lowered  }
0x9b: {  	s6 =	simm.s32 $0x1BFF;
	s21 =	sshll.u32 s5, $0x1;
	s3 =	sadd.s32 s20, s19  }
0x9c: {  	s22 =	simm.s32 $0x0;
	s4 =	sshll.u32 s4, $0x1;
	s5 =	sadd.s32 s21, s3  }
0x9d: {  	[timem:s22], [sflag:s6] =	dma.local [hbm:s5], s4  }
0x9e: {  	_ =	swait.ge [sflag:s6], s4  }
0x9f: {  	s4 =	ssub.s32 $0x0, s4;
	[sflag:s6] =	ssyncset.done $0x0  }
0xa0: {  	[sflag:s6] =	ssyncadd.s32 s4;
	_ =	sdelay $0x1  }
0xa1: {  	s23 =	simm.s32 $0x1B8B  }
0xa2: {  	_ =	swait.ge [sflag:s23], $0x1  }
0xa3: {  	[sflag:s23] =	ssyncset.done $0x0  }
0xa4: {  	[sflag:s23] =	ssyncadd.s32 $0xFFFFFFFF  }
0xa5: {  	s4 =	sld [smem:$0x0]  }
0xa6: {  	s5 =	sand.u32 $0xFFFFFFFE, s1  }
0xa7: {  	p0 =	sne.s32 s1, s5  }
0xa8: {  	s5 =	sshll.u32 @p0 s5, $0xE  }
0xa9: {  	s5 =	sadd.s32 @p0 $0x11B8D, s5;
	s6 =	sshll.u32 @p0 s4, $0x11  }
0xaa: {  	s5 =	sor.u32 @p0 s6, s5  }
0xab: {  	[sflag:s5] =	ssyncadd.remote.s32 @p0 $0x1;
	_ =	sdelay $0x1  }
0xac: {  	s5 =	simm.s32 @p0 $0x1B8D  }
0xad: {  	_ =	swait.eq @p0 [sflag:s5], $0x1  }
0xae: {  	[sflag:s5] =	ssyncadd.s32 @p0 $0xFFFFFFFF  }
0xaf: {  	s6 =	sshll.u32 @!p0 s1, $0xE  }
0xb0: {  	s6 =	sor.u32 @!p0 $0x4000, s6;
	s5 =	simm.s32 @!p0 $0x1B8D  }
0xb1: {  	s4 =	sshll.u32 @!p0 s4, $0x11;
	s6 =	sadd.s32 @!p0 $0x11B8D, s6;
	_ =	swait.eq @!p0 [sflag:s5], $0x1  }
0xb2: {  	s4 =	sor.u32 @!p0 s4, s6;
	[sflag:s5] =	ssyncadd.s32 @!p0 $0xFFFFFFFF  }
0xb3: {  	s25 =	simm.s32 $0x1B8E;
	s24 =	sld [smem:$0x3FFE];
	[sflag:s4] =	ssyncadd.remote.s32 @!p0 $0x1  }
0xb4: {  	s26 =	simm.s32 $execute0_lowered;
	[smem:$0x3FD2] =	sst s25  }
0xb5: {  	s5 =	sshll.u32 s26, $0x1;
	_ =	strace $0x8000004C;
	[dreg:$0x1] =	wrdreg $0xFFFFFFFF  }
0xb6: {  	s28 =	simm.s32 $_size_execute0_lowered;
	s3 =	sadd.s32 s3, s5;
	[dreg:$0x0] =	wrdreg $0x0  }
0xb7: {  	s5 =	sshll.u32 s28, $0x1;
	[dreg:$0x2] =	wrdreg s3  }
0xb8: {  	[dreg:$0x3] =	wrdreg s5  }
0xb9: {  	[dreg:$0x4] =	wrdreg $0xC0  }
0xba: {  	_ =	task [dreg:s22], $0x5FFFF  }
0xbb: {  	[dreg:$0x1] =	wrdreg $0xFFFFFFFF  }
0xbc: {  	[dreg:$0x0] =	wrdreg $0x60  }
0xbd: {  	[dreg:$0x2] =	wrdreg s24  }
0xbe: {  	[dreg:$0x3] =	wrdreg $0x28800  }
0xbf: {  	[dreg:$0x4] =	wrdreg $0xB  }
0xc0: {  	_ =	task.clear_ibuf [dreg:s22], $0x5FFFF;
	_ =	strace $0x9000004C  }
0xc1: {  	s29 =	simm.s32 $0xB;
	_ =	strace $0x8000004E  }
0xc2: {  	_ =	swait.ge [sflag:s29], $0x1  }
0xc3: {  	[sflag:s29] =	ssyncadd.s32 $0xFFFFFFFF  }
0xc4: {  	_ =	strace $0x9000004E  }
0xc5: {  	_ =	sfence  }
0xc6: {  	s30 =	sld [smem:$0x0];
	_ =	sdelay $0x2  }
0xc7: {  	s31 =	sshll.u32 s1, $0xD;
	s1 =	sshrl.u32 s1, $0x2  }
0xc8: {  	s4 =	sand.u32 $0x4000, s31;
	s1 =	sadd.s32 s1, s30  }
0xc9: {  	s0 =	sor.u32 s4, s0;
	s1 =	sshll.u32 s1, $0x11  }
0xca: {  	s0 =	sor.u32 s1, s0  }
0xcb: {  	s0 =	sadd.s32 $0x8F2B, s0  }
0xcc: {  	[sflag:s0] =	ssyncadd.remote.s32 $0x1  }
0xcd: {  	_ =	sfence.sel $0xFFFF  }
0xce: {  	[dreg:$0x0] =	wrdreg $0xFFFFFFFF;
	(pc) =	sbr.abs _section_cstart, $3  }
0xcf: {  	[dreg:$0x1] =	wrdreg $0xFFFFFFFF  }
0xd0: {  	_ =	task.clear_ibuf [dreg:s22], $0x2FFFF;
	_ =	strace $0x9FFFFFFF  }
0xd1: {  	(tm) =	ssettm $0x7FFFFFFF  }
tec
execute0_lowered:
.L_overlay_start_1:
0x0: {  	(tag) =	ssettag $0x1  }
0x1: {  	s1 =	srdreg.scid;
	s5 =	rddreg [dreg:$0x0]  }
0x2: {  	s0 =	stileid.u32;
	s2 =	rddreg [dreg:$0x1];
	s3 =	simm.s32 $0x0  }
0x3: {  	s12 =	simm.s32 $0x2800;
	s13 =	simm.s32 $0x20;
	s14 =	simm.s32 $0x10  }
0x4: {  	s15 =	simm.s32 $0x0;
	s4 =	sand.u32 $0x1, s1;
	s7 =	smul.u32 $0x500, s0  }
0x5: {  	s28 =	sshll.u32 s0, $0x1;
	[smem:$0x7FF] =	sst s3;
	s8 =	smul.u32 $0x280, s0  }
0x6: {  	s31 =	sshll.u32 s0, $0x6;
	s1 =	sor.u32 s4, s28;
	s9 =	sshll.u32 s4, $0x7  }
0x7: {  	s4 =	ssub.s32 $0x2, s4;
	s6 =	smul.u32 $0x500, s1;
	s1 =	rddreg [dreg:$0x2]  }
0x8: {  	_ =	strace $0x8000004D;
	s7 =	sor.u32 s9, s7;
	s29 =	sshrl.u32 s8, $0x3  }
0x9: {  	s30 =	sshrl.u32 s4, $0x1;
	s11 =	sadd.s32 s8, s2;
	s7 =	sshrl.u32 s7, $0x3  }
0xa: {  	s9 =	sadd.s32 s29, s5;
	s10 =	ssub.s32 s4, s30;
	s6 =	sadd.s32 s6, s5  }
0xb: {  	s7 =	sadd.s32 s7, s5;
	s4 =	sadd.s32 $0xC800, s9;
	s5 =	sor.u32 $0x1C01, s31  }
0xc: {  	s8 =	smax.u32 s10, $0x1;
	s9 =	sshrl.u32 s11, $0x3;
	s10 =	simm.s32 $0x1  }
0xd: {  	v0 =	vimm.f32 $1.000000000e+00;
	s11 =	simm.s32 $0x80;
	s6 =	sadd.s32 $0x516400, s6;
	s7 =	sadd.s32 $0xCE00, s7  }
.LBB2_1:
0xe: {  	[spmem:s9], [sflag:s5] =	dma.local [hbm:s4], $0x50  }
0xf: {  	_ =	swait.ge [sflag:s10], $0x50  }
0x10: {  	[sflag:s10] =	ssyncset.done $0x0  }
0x11: {  	[sflag:s10] =	ssyncadd.s32 $0xFFFFFFB0  }
0x12: {  	[tilespmem:$0x2800] =	vst v0  }
0x13: {  	[tilespmem:$0x2810] =	vst v0  }
0x14: {  	[tilespmem:$0x2820] =	vst v0  }
0x15: {  	[tilespmem:$0x2830] =	vst v0  }
0x16: {  	[tilespmem:$0x2840] =	vst v0  }
0x17: {  	[tilespmem:$0x2850] =	vst v0  }
0x18: {  	[tilespmem:$0x2860] =	vst v0  }
0x19: {  	[tilespmem:$0x2870] =	vst v0  }
0x1a: {  	[tilespmem:s3], [sflag:$0x1] =	stream.linear.gather [hbm4b:s6+s3], $0x2800, $0x38;
	[tilespmem:$0x2B00] =	vst v63  }
0x1b: {  	_ =	swait.ge [sflag:s10], $0x2800  }
0x1c: {  	[sflag:s10] =	ssyncset.done $0x0  }
0x1d: {  	[sflag:s10] =	ssyncadd.s32 $0xFFFFD800  }
0x1e: {  	s16 =	simm.s32 $0x0;
	[bflag:$0x0] =	sbarrier.arrive $0xFFFF  }
0x1f: {  	[spmem:s2] =	stream.indirect.scatter.add.f32 [tilespmem:s12], [sflag:$0x1], $0x1, s16, s11, $0xb8;
	[tilespmem:$0x2B00] =	vst v63  }
0x20: {  	_ =	swait.ge [sflag:s10], $0x80  }
0x21: {  	s16 =	simm.s32 $0x200;
	[sflag:s10] =	ssyncset.done $0x0  }
.LBB2_2:
0x22: {  	s17 =	sshra.s32 s16, $0x2;
	[sflag:s10] =	ssyncadd.s32 $0xFFFFFF80;
	p0 =	sne.s32 s16, $0x9E00  }
0x23: {  	[spmem:s2] =	stream.indirect.scatter.add.f32 [tilespmem:s12], [sflag:$0x1], $0x1, s17, s11, $0xb8;
	[tilespmem:$0x2B00] =	vst v63  }
.Ltmp0:
0x24: {  	_ = 	snop;
	(pc) =	sbr.rel @p0 .LBB2_2-.Ltmp0, $4  }
0x25: {  	_ = 	snop  }
0x26: {  	s16 =	sadd.s32 $0x200, s16  }
0x27: {  	_ =	swait.ge [sflag:s10], $0x80  }
0x28: {  	[sflag:s10] =	ssyncset.done $0x0  }
0x29: {  	s15 =	sadd.s32 $0x1, s15  }
0x2a: {  	[sflag:s10] =	ssyncadd.s32 $0xFFFFFF80;
	p0 =	sne.s32 s15, s8  }
.Ltmp1:
0x2b: {  	[bflag:$0x0] =	sbarrier.arrive $0xFFFF;
	(pc) =	sbr.rel @p0 .LBB2_1-.Ltmp1, $4  }
0x2c: {  	[hbm:s7@s13], [sflag:s5] =	dma.strided [spmem:s9@s14], $0x50, s10, $0x10   }
0x2d: {  	_ =	swait.ge [sflag:s10], $0x50  }
0x2e: {  	[sflag:s10] =	ssyncset.done $0x0  }
0x2f: {  	[sflag:s10] =	ssyncadd.s32 $0xFFFFFFB0  }
0x30: {  	_ =	sfence.sel $0x180000  }
0x31: {  	[bflag:$0x0] =	sbarrier.arrive $0xFFFF  }
0x32: {  	p0 =	sne.s32 s0, $0x0;
	_ =	strace $0x9000004D  }
0x33: {  	s0 =	sadd.s32 @!p0 $0x100000, s1;
	[bflag:$0x2] =	sbarrier.arrive $0xFFFF  }
0x34: {  	[sflag:s0] =	ssyncadd.tile.s32 @!p0 $0x1;
	_ =	shalt  }
.Lfunc_end2:
_tile_overlayer_lowered:
.L_overlay_start_2:
0x35: {  	(tag) =	ssettag $0x2  }
0x36: {  	s0 =	rddreg [dreg:$0x0];
	s2 =	stileid.u32  }
0x37: {  	s1 =	rddreg [dreg:$0x1];
	p0 =	sne.s32 s2, $0x0  }
0x38: {  	s3 =	rddreg [dreg:$0x2];
	[bflag:$0x3] =	sbarrier.arrive $0xFFFF;
	s2 =	simm.s32 @!p0 $0x1C01  }
0x39: {  	[timem:s3], [sflag:s2] =	dma.local @!p0 [hbm:s0], s1  }
0x3a: {  	s0 =	simm.s32 @!p0 $0x1  }
0x3b: {  	_ =	swait.ge @!p0 [sflag:s0], s1  }
0x3c: {  	s1 =	ssub.s32 @!p0 $0x0, s1;
	[sflag:s0] =	ssyncset.done @!p0 $0x0  }
0x3d: {  	[sflag:s0] =	ssyncadd.s32 @!p0 s1  }
0x3e: {  	[bflag:$0x3] =	sbarrier.arrive $0xFFFF  }
0x3f: {  	_ =	shalt  }

// kernel: sparse-core-data-format-call.1.cloned.1.call-start
scs
called_computation.1_lowered:
.L_overlay_start_0:
0x0: {  	s1 =	sld [smem:$0x3FD9]  }
0x1: {  	s2 =	sld [smem:$0x3FFE];
	_ =	sdelay $0x1  }
0x2: {  	s3 =	srdreg.scid  }
0x3: {  	s0 =	sand.u32 $0x1, s3  }
0x4: {  	s17 =	sshll.u32 s0, $0xA;
	s1 =	sadd.s32 s2, s1  }
0x5: {  	s1 =	sadd.s32 s1, s17  }
0x6: {  	[smem:$0x3FBE] =	sst s1  }
0x7: {  	_ = 	snop  }
0x8: {  	(tm) =	ssettm $0x1  }
0x9: {  	s18 =	sld [smem:$0x3FFB];
	_ =	sdelay $0x3  }
0xa: {  	_ =	strace s18  }
0xb: {  	s1 =	sld [smem:$0x3FFC];
	_ =	sdelay $0x3  }
0xc: {  	_ =	strace s1  }
0xd: {  	s1 =	sld [smem:$0x3FFD];
	_ =	sdelay $0x3  }
0xe: {  	_ =	strace s1  }
0xf: {  	_ =	strace $0x8FFFFFFF  }
0x10: {  	s19 =	sld [smem:$0x3FDB];
	_ =	sdelay $0x1  }
0x11: {  	s20 =	simm.s32 $_scs_section_size  }
0x12: {  	s4 =	simm.s32 $_size__tile_overlayer_lowered;
	s5 =	simm.s32 $_tile_overlayer_lowered  }
0x13: {  	s23 =	simm.s32 $0x1BFF;
	s22 =	sshll.u32 s5, $0x1;
	s1 =	sadd.s32 s20, s19  }
0x14: {  	s6 =	simm.s32 $0x0;
	s21 =	sshll.u32 s4, $0x1;
	s4 =	sadd.s32 s22, s1  }
0x15: {  	[timem:s6], [sflag:s23] =	dma.local [hbm:s4], s21  }
0x16: {  	_ =	swait.ge [sflag:s23], s21  }
0x17: {  	s2 =	ssub.s32 $0x0, s21;
	[sflag:s23] =	ssyncset.done $0x0  }
0x18: {  	[sflag:s23] =	ssyncadd.s32 s2;
	_ =	sdelay $0x1  }
0x19: {  	s24 =	simm.s32 $0x1B8B  }
0x1a: {  	_ =	swait.ge [sflag:s24], $0x1  }
0x1b: {  	[sflag:s24] =	ssyncset.done $0x0  }
0x1c: {  	s26 =	simm.s32 $0x1B8E;
	s25 =	sld [smem:$0x3FFE];
	[sflag:s24] =	ssyncadd.s32 $0xFFFFFFFF  }
0x1d: {  	s27 =	simm.s32 $execute0_lowered;
	[smem:$0x3FD2] =	sst s26  }
0x1e: {  	s4 =	sshll.u32 s27, $0x1;
	_ =	strace $0x80000046;
	[dreg:$0x1] =	wrdreg $0xFFFFFFFF  }
0x1f: {  	s28 =	simm.s32 $_size_execute0_lowered;
	s1 =	sadd.s32 s1, s4;
	[dreg:$0x0] =	wrdreg $0x0  }
0x20: {  	s4 =	sshll.u32 s28, $0x1;
	[dreg:$0x2] =	wrdreg s1  }
0x21: {  	[dreg:$0x3] =	wrdreg s4  }
0x22: {  	[dreg:$0x4] =	wrdreg $0xC0  }
0x23: {  	_ =	task [dreg:s6], $0x5FFFF  }
0x24: {  	[dreg:$0x1] =	wrdreg $0xFFFFFFFF  }
0x25: {  	[dreg:$0x0] =	wrdreg $0x60  }
0x26: {  	[dreg:$0x2] =	wrdreg s25  }
0x27: {  	[dreg:$0x3] =	wrdreg $0xA  }
0x28: {  	_ =	task.clear_ibuf [dreg:s6], $0x4FFFF;
	_ =	strace $0x90000046  }
0x29: {  	s29 =	simm.s32 $0xA;
	_ =	strace $0x80000048  }
0x2a: {  	_ =	swait.ge [sflag:s29], $0x1  }
0x2b: {  	[sflag:s29] =	ssyncadd.s32 $0xFFFFFFFF  }
0x2c: {  	_ =	strace $0x90000048  }
0x2d: {  	_ =	sfence  }
0x2e: {  	s30 =	sld [smem:$0x0];
	_ =	sdelay $0x2  }
0x2f: {  	s31 =	sshll.u32 s3, $0xD;
	s3 =	sshrl.u32 s3, $0x2  }
0x30: {  	s2 =	sand.u32 $0x4000, s31;
	s1 =	sadd.s32 s3, s30  }
0x31: {  	s0 =	sor.u32 s2, s0;
	s1 =	sshll.u32 s1, $0x11  }
0x32: {  	s0 =	sor.u32 s1, s0  }
0x33: {  	s0 =	sadd.s32 $0x8F2B, s0  }
0x34: {  	[sflag:s0] =	ssyncadd.remote.s32 $0x1  }
0x35: {  	_ =	sfence.sel $0xFFFF  }
0x36: {  	[dreg:$0x0] =	wrdreg $0xFFFFFFFF;
	(pc) =	sbr.abs _section_cstart, $3  }
0x37: {  	[dreg:$0x1] =	wrdreg $0xFFFFFFFF  }
0x38: {  	_ =	task.clear_ibuf [dreg:s6], $0x2FFFF;
	_ =	strace $0x9FFFFFFF  }
0x39: {  	(tm) =	ssettm $0x7FFFFFFF  }
tec
execute0_lowered:
.L_overlay_start_1:
0x0: {  	(tag) =	ssettag $0x1  }
0x1: {  	s1 =	rddreg [dreg:$0x0]  }
0x2: {  	s0 =	rddreg [dreg:$0x1];
	_ =	strace $0x80000047  }
0x3: {  	s4 =	srdreg.scid;
	s6 =	simm.s32 $0x2;
	s12 =	simm.s32 $0x0  }
0x4: {  	p0 =	por $0x0, $0x0;
	s11 =	simm.s32 $0x0;
	s13 =	simm.s32 $0x0  }
.Ltmp0:
0x5: {  	s8 =	simm.s32 $0x0;
	s9 =	simm.s32 $0x0;
	(pc) =	sbr.rel .LBB1_1-.Ltmp0, $4  }
0x6: {  	s2 =	sadd.s32 $0x16400, s1;
	s3 =	sadd.s32 $0x156400, s1;
	s4 =	sshll.u32 s4, $0x4  }
0x7: {  	s1 =	stileid.u32;
	s5 =	sand.u32 $0x10, s4;
	s4 =	simm.s32 $0x1  }
0x8: {  	s7 =	simm.s32 $0x0;
	s5 =	sor.u32 s1, s5;
	[sflag:s4] =	ssyncpa.u1 $0x0  }
0x9: {  	[sflag:s6] =	ssyncpa.u1 $0x0;
	s6 =	simm.s32 $0x5000;
	s10 =	smov.u32 s5  }
.LBB1_5:
0xa: {  	s14 =	sadd.s32 $0x80, s8  }
0xb: {  	s11 =	sadd.s32 $0x80, s9;
	s15 =	smov.u32 s9;
	p2 =	sgt.s32 s14, $0x1FF  }
0xc: {  	s15 =	smov.u32 @p2 s11  }
0xd: {  	s17 =	smov.u32 s10;
	s11 =	sadd.s32 $0x20, s10;
	p3 =	sgt.s32 s15, $0x7F  }
0xe: {  	p1 =	slt.u32 s7, $0x2;
	s17 =	smov.u32 @p3 s11  }
0xf: {  	s7 =	sadd.s32 $0x1, s7;
	s14 =	simm.s32 @p2 $0x0;
	p2 =	sgt.s32 s17, $0x9F  }
0x10: {  	s17 =	smov.u32 @p2 s5;
	p2 =	sne.s32 s7, $0x16  }
.Ltmp1:
0x11: {  	s16 =	simm.s32 @!p1 $0x2;
	(pc) =	sbr.rel @!p2 .LBB1_6-.Ltmp1, $4  }
0x12: {  	s12 =	smov.u32 s8;
	_ =	swait.ge @!p1 [sflag:s16], $0x4000  }
0x13: {  	s13 =	smov.u32 s10;
	p0 =	por !p0, !p0;
	[sflag:s16] =	ssyncset.done @!p1 $0x0  }
0x14: {  	s8 =	smov.u32 s14;
	s15 =	simm.s32 @p3 $0x0;
	s11 =	smov.u32 s9  }
0x15: {  	[sflag:s16] =	ssyncadd.s32 @!p1 $0xFFFFC000;
	s9 =	smov.u32 s15;
	s10 =	smov.u32 s17  }
.LBB1_1:
0x16: {  	p1 =	sgt.u32 s7, $0x13  }
0x17: {  	s14 =	sxor.u32 @!p1 $0xFFFFFFFF, s7  }
0x18: {  	s15 =	sshll.u32 @!p1 s9, $0x9;
	s16 =	sshll.u32 @!p1 s8, $0x3;
	s17 =	sshll.u32 @!p1 s9, $0x7  }
0x19: {  	s18 =	sand.u32 @!p1 $0x78, s8;
	s15 =	sand.u32 @!p1 $0xF000, s15;
	s16 =	sand.u32 @!p1 $0xFC00, s16  }
0x1a: {  	s14 =	sshll.u32 @!p1 s14, $0xE;
	s15 =	sadd.s32 @!p1 s15, s16;
	s16 =	sand.u32 @!p1 $0x200, s17  }
0x1b: {  	s14 =	sand.u32 @!p1 $0x4000, s14;
	s15 =	sor.u32 @!p1 s16, s15;
	s16 =	sand.u32 @!p1 $0x180, s17  }
0x1c: {  	s17 =	sshll.u32 @!p1 s10, $0xD;
	s16 =	sor.u32 @!p1 s18, s16;
	s15 =	sshrl.u32 @!p1 s15, $0x3  }
0x1d: {  	s17 =	sadd.s32 @!p1 s2, s17;
	s18 =	sand.u32 @!p1 $0x7, s8;
	s16 =	sshrl.u32 @!p1 s16, $0x3  }
0x1e: {  	s15 =	sand.u32 @!p1 $0x1FC0, s15;
	s16 =	sadd.s32 @!p1 s16, s17;
	s17 =	sshll.u32 @!p1 s18, $0x12  }
0x1f: {  	s15 =	sadd.s32 @!p1 s15, s16;
	s16 =	sor.u32 @!p1 $0x400, s17;
	s17 =	simm.s32 @!p1 $0x1000  }
0x20: {  	[tilespmem:s14], [sflag:$0x1] =	stream.strided.gather @!p1 [hbm4b:s15+s16], $0x4000, s17, s16, $0x38;
	[tilespmem:$0x10100] =	vst v63  }
0x21: {  	p1 =	seq.s32 s7, $0x0  }
0x22: {  	p2 =	seq.s32 @!p1 s7, $0x15  }
0x23: {  	p1 =	por p1, p2  }
.Ltmp2:
0x24: {  	_ = 	snop;
	(pc) =	sbr.rel @p1 .LBB1_5-.Ltmp2, $1  }
0x25: {  	_ =	sdelay $0x3  }
0x26: {  	s14 =	simm.s32 $0x1  }
0x27: {  	_ =	swait.ge [sflag:s4], $0x4000;
	s14 =	simm.s32 @!p0 $0x0  }
0x28: {  	[sflag:s4] =	ssyncset.done $0x0;
	s15 =	sshll.u32 s14, $0xE  }
0x29: {  	[sflag:s4] =	ssyncadd.s32 $0xFFFFC000;
	s17 =	sor.u32 $0x40, s15  }
0x2a: {  	s14 =	smul.u32 $0x10200, s14;
	v0 =	vld [tilespmem:s17+$0x30]  }
0x2b: {  	v1 =	vld [tilespmem:s17+$0xFFFFFFD0]  }
0x2c: {  	s14 =	sshrl.u32 s14, $0x2;
	v5 =	vld [tilespmem:s17+$0xFFFFFFE0]  }
0x2d: {  	v6 =	vld [tilespmem:s17+$0xFFFFFFF0];
	s15 =	sor.u32 $0x8000, s14  }
0x2e: {  	s31 =	sand.u32 $0x1, s7;
	v4 =	vld [tilespmem:s17+$0x0];
	s16 =	sadd.s32 $0x0, s15  }
0x2f: {  	v3 =	vld [tilespmem:s17+$0x10];
	s14 =	smul.u32 $0x10200, s31;
	[tilespmem:s16+$0x3870 ss:$0x81] =	vst.msk $0xffff, v0  }
0x30: {  	v2 =	vld [tilespmem:s17+$0x20];
	[tilespmem:s16+$0x810 ss:$0x81] =	vst.msk $0xffff, v1  }
0x31: {  	s14 =	sshrl.u32 s14, $0x2;
	v0 =	vld [tilespmem:s17+$0xFFFFFFC0];
	[tilespmem:s16+$0x1020 ss:$0x81] =	vst.msk $0xffff, v5;
	s17 =	sadd.s32 $0x80, s17  }
0x32: {  	s18 =	simm.s32 $0x4;
	s19 =	simm.s32 $0x8;
	s14 =	sor.u32 $0x8000, s14;
	[tilespmem:s16+$0x1830 ss:$0x81] =	vst.msk $0xffff, v6;
	v1 =	vld [tilespmem:s17+$0x30]  }
.LBB1_3:
0x33: {  	p1 =	sne.s32 s19, $0x1FC;
	v5 =	vld [tilespmem:s17+$0xFFFFFFD0];
	[tilespmem:s16+$0x2040 ss:$0x81] =	vst.msk $0xffff, v4  }
0x34: {  	v6 =	vld [tilespmem:s17+$0xFFFFFFE0];
	[tilespmem:s16+$0x2850 ss:$0x81] =	vst.msk $0xffff, v3  }
0x35: {  	s20 =	sshra.s32 s18, $0x2;
	s18 =	smov.u32 s19;
	v7 =	vld [tilespmem:s17+$0xFFFFFFF0];
	[tilespmem:s16+$0x3060 ss:$0x81] =	vst.msk $0xffff, v2  }
.Ltmp3:
0x36: {  	v4 =	vld [tilespmem:s17+$0x0];
	[tilespmem:s16+$0x0 ss:$0x81] =	vst.msk $0xffff, v0;
	s16 =	sadd.s32 s20, s15;
	(pc) =	sbr.rel @p1 .LBB1_3-.Ltmp3, $4  }
0x37: {  	v3 =	vld [tilespmem:s17+$0x10];
	[tilespmem:s16+$0x3870 ss:$0x81] =	vst.msk $0xffff, v1  }
0x38: {  	[tilespmem:s16+$0x810 ss:$0x81] =	vst.msk $0xffff, v5;
	v2 =	vld [tilespmem:s17+$0x20]  }
0x39: {  	v0 =	vld [tilespmem:s17+$0xFFFFFFC0];
	[tilespmem:s16+$0x1020 ss:$0x81] =	vst.msk $0xffff, v6;
	s17 =	sadd.s32 $0x80, s17  }
0x3a: {  	s19 =	sadd.s32 $0x4, s19;
	v1 =	vld [tilespmem:s17+$0x30];
	[tilespmem:s16+$0x1830 ss:$0x81] =	vst.msk $0xffff, v7  }
0x3b: {  	s13 =	sshll.u32 s13, $0x7;
	s19 =	sshll.u32 s11, $0x3;
	v5 =	vld [tilespmem:s17+$0xFFFFFFD0];
	[tilespmem:s16+$0x2040 ss:$0x81] =	vst.msk $0xffff, v4  }
0x3c: {  	v58 =	vld [tilespmem:s17+$0xFFFFFFE0];
	s20 =	sand.u32 $0xFFFFFC00, s13;
	s19 =	sand.u32 $0xFFFFFC00, s19;
	[tilespmem:s16+$0x2850 ss:$0x81] =	vst.msk $0xffff, v3  }
0x3d: {  	s18 =	sshra.s32 s18, $0x2;
	v59 =	vld [tilespmem:s17+$0xFFFFFFF0];
	s13 =	sand.u32 $0x380, s13;
	s19 =	sadd.s32 s20, s19;
	[tilespmem:s16+$0x3060 ss:$0x81] =	vst.msk $0xffff, v2  }
0x3e: {  	v60 =	vld [tilespmem:s17+$0x0];
	s15 =	sadd.s32 s18, s15;
	s13 =	sor.u32 s13, s19;
	[tilespmem:s16+$0x0 ss:$0x81] =	vst.msk $0xffff, v0  }
0x3f: {  	v61 =	vld [tilespmem:s17+$0x10];
	s13 =	sshrl.u32 s13, $0x7;
	[tilespmem:s15+$0x3870 ss:$0x81] =	vst.msk $0xffff, v1  }
0x40: {  	v62 =	vld [tilespmem:s17+$0x20];
	s29 =	smulhi.u32 $0x199999A, s13;
	[tilespmem:s15+$0x810 ss:$0x81] =	vst.msk $0xffff, v5  }
0x41: {  	v63 =	vld [tilespmem:s17+$0xFFFFFFC0];
	s12 =	smul.u32 $0xA00, s12;
	[tilespmem:s15+$0x1020 ss:$0x81] =	vst.msk $0xffff, v58  }
0x42: {  	[tilespmem:s15+$0x1830 ss:$0x81] =	vst.msk $0xffff, v59;
	s16 =	smul.u32 $0xA0, s29  }
.Ltmp4:
0x43: {  	s30 =	sshrl.u32 s11, $0x3;
	s31 =	sand.u32 $0x7, s11;
	[tilespmem:s15+$0x2040 ss:$0x81] =	vst.msk $0xffff, v60;
	(pc) =	sbr.rel .LBB1_5-.Ltmp4, $4  }
0x44: {  	s12 =	sadd.s32 s3, s12;
	[tilespmem:s15+$0x2850 ss:$0x81] =	vst.msk $0xffff, v61;
	s13 =	ssub.s32 s13, s16;
	s16 =	sand.u32 $0xF, s30  }
0x45: {  	s11 =	sshll.u32 s31, $0x12;
	[tilespmem:s15+$0x3060 ss:$0x81] =	vst.msk $0xffff, v62;
	s13 =	sshll.u32 s13, $0x4;
	s12 =	sadd.s32 s16, s12  }
0x46: {  	s11 =	sor.u32 $0x80, s11;
	[tilespmem:s15+$0x0 ss:$0x81] =	vst.msk $0xffff, v63;
	s12 =	sadd.s32 s13, s12  }
0x47: {  	[hbm4b:s12+s11] =	stream.strided.scatter [tilespmem:s14], [sflag:$0x2], $0x4000, s6, s11, $0x20;
	[tilespmem:$0x10100] =	vst v63  }
.LBB1_6:
0x48: {  	_ =	sfence.sel $0x180000  }
0x49: {  	s2 =	simm.s32 $0x1;
	[bflag:$0x0] =	sbarrier.arrive $0xFFFF  }
0x4a: {  	s31 =	simm.s32 $0x2;
	[sflag:s2] =	ssyncpa.u1 $0x1  }
0x4b: {  	[sflag:s31] =	ssyncpa.u1 $0x1  }
0x4c: {  	p0 =	sne.s32 s1, $0x0;
	_ =	strace $0x90000047  }
0x4d: {  	s0 =	sadd.s32 @!p0 $0x100000, s0;
	[bflag:$0x2] =	sbarrier.arrive $0xFFFF  }
0x4e: {  	[sflag:s0] =	ssyncadd.tile.s32 @!p0 $0x1;
	_ =	shalt  }
.Lfunc_end1:
_tile_overlayer_lowered:
.L_overlay_start_2:
0x4f: {  	(tag) =	ssettag $0x2  }
0x50: {  	s0 =	rddreg [dreg:$0x0];
	s2 =	stileid.u32  }
0x51: {  	s1 =	rddreg [dreg:$0x1];
	p0 =	sne.s32 s2, $0x0  }
0x52: {  	s3 =	rddreg [dreg:$0x2];
	[bflag:$0x3] =	sbarrier.arrive $0xFFFF;
	s2 =	simm.s32 @!p0 $0x1C01  }
0x53: {  	[timem:s3], [sflag:s2] =	dma.local @!p0 [hbm:s0], s1  }
0x54: {  	s0 =	simm.s32 @!p0 $0x1  }
0x55: {  	_ =	swait.ge @!p0 [sflag:s0], s1  }
0x56: {  	s1 =	ssub.s32 @!p0 $0x0, s1;
	[sflag:s0] =	ssyncset.done @!p0 $0x0  }
0x57: {  	[sflag:s0] =	ssyncadd.s32 @!p0 s1  }
0x58: {  	[bflag:$0x3] =	sbarrier.arrive $0xFFFF  }
0x59: {  	_ =	shalt  }

// kernel: sparse-core-data-format-call.cloned.1.call-start
scs
called_computation_lowered:
.L_overlay_start_0:
0x0: {  	s2 =	sld [smem:$0x3FD9]  }
0x1: {  	s3 =	sld [smem:$0x3FFE];
	_ =	sdelay $0x1  }
0x2: {  	s1 =	srdreg.scid  }
0x3: {  	s0 =	sand.u32 $0x1, s1  }
0x4: {  	s18 =	sshll.u32 s0, $0xA;
	s2 =	sadd.s32 s3, s2  }
0x5: {  	s2 =	sadd.s32 s2, s18  }
0x6: {  	[smem:$0x3FBE] =	sst s2  }
0x7: {  	_ = 	snop  }
0x8: {  	(tm) =	ssettm $0x1  }
0x9: {  	s19 =	sld [smem:$0x3FFB];
	_ =	sdelay $0x3  }
0xa: {  	_ =	strace s19  }
0xb: {  	s2 =	sld [smem:$0x3FFC];
	_ =	sdelay $0x3  }
0xc: {  	_ =	strace s2  }
0xd: {  	s2 =	sld [smem:$0x3FFD];
	_ =	sdelay $0x3  }
0xe: {  	_ =	strace s2  }
0xf: {  	_ =	strace $0x8FFFFFFF  }
0x10: {  	s20 =	sld [smem:$0x3FDB];
	_ =	sdelay $0x1  }
0x11: {  	s21 =	simm.s32 $_scs_section_size  }
0x12: {  	s4 =	simm.s32 $_size__tile_overlayer_lowered;
	s5 =	simm.s32 $_tile_overlayer_lowered  }
0x13: {  	s6 =	simm.s32 $0x1BFF;
	s22 =	sshll.u32 s5, $0x1;
	s3 =	sadd.s32 s21, s20  }
0x14: {  	s23 =	simm.s32 $0x0;
	s4 =	sshll.u32 s4, $0x1;
	s5 =	sadd.s32 s22, s3  }
0x15: {  	[timem:s23], [sflag:s6] =	dma.local [hbm:s5], s4  }
0x16: {  	_ =	swait.ge [sflag:s6], s4  }
0x17: {  	s4 =	ssub.s32 $0x0, s4;
	[sflag:s6] =	ssyncset.done $0x0  }
0x18: {  	[sflag:s6] =	ssyncadd.s32 s4;
	_ =	sdelay $0x1  }
0x19: {  	s24 =	simm.s32 $0x1B8B  }
0x1a: {  	_ =	swait.ge [sflag:s24], $0x1  }
0x1b: {  	[sflag:s24] =	ssyncset.done $0x0  }
0x1c: {  	[sflag:s24] =	ssyncadd.s32 $0xFFFFFFFF  }
0x1d: {  	s4 =	sld [smem:$0x0]  }
0x1e: {  	s5 =	sand.u32 $0xFFFFFFFE, s1  }
0x1f: {  	p0 =	sne.s32 s1, s5  }
0x20: {  	s5 =	sshll.u32 @p0 s5, $0xE  }
0x21: {  	s5 =	sadd.s32 @p0 $0x11B8D, s5;
	s6 =	sshll.u32 @p0 s4, $0x11  }
0x22: {  	s5 =	sor.u32 @p0 s6, s5  }
0x23: {  	[sflag:s5] =	ssyncadd.remote.s32 @p0 $0x1;
	_ =	sdelay $0x1  }
0x24: {  	s5 =	simm.s32 @p0 $0x1B8D  }
0x25: {  	_ =	swait.eq @p0 [sflag:s5], $0x1  }
0x26: {  	[sflag:s5] =	ssyncadd.s32 @p0 $0xFFFFFFFF  }
0x27: {  	s6 =	sshll.u32 @!p0 s1, $0xE  }
0x28: {  	s6 =	sor.u32 @!p0 $0x4000, s6;
	s5 =	simm.s32 @!p0 $0x1B8D  }
0x29: {  	s4 =	sshll.u32 @!p0 s4, $0x11;
	s6 =	sadd.s32 @!p0 $0x11B8D, s6;
	_ =	swait.eq @!p0 [sflag:s5], $0x1  }
0x2a: {  	s4 =	sor.u32 @!p0 s4, s6;
	[sflag:s5] =	ssyncadd.s32 @!p0 $0xFFFFFFFF  }
0x2b: {  	s26 =	simm.s32 $0x1B8E;
	s25 =	sld [smem:$0x3FFE];
	[sflag:s4] =	ssyncadd.remote.s32 @!p0 $0x1  }
0x2c: {  	s27 =	simm.s32 $execute0_lowered;
	[smem:$0x3FD2] =	sst s26  }
0x2d: {  	s5 =	sshll.u32 s27, $0x1;
	_ =	strace $0x80000049;
	[dreg:$0x1] =	wrdreg $0xFFFFFFFF  }
0x2e: {  	s28 =	simm.s32 $_size_execute0_lowered;
	s3 =	sadd.s32 s3, s5;
	[dreg:$0x0] =	wrdreg $0x0  }
0x2f: {  	s5 =	sshll.u32 s28, $0x1;
	[dreg:$0x2] =	wrdreg s3  }
0x30: {  	[dreg:$0x3] =	wrdreg s5  }
0x31: {  	[dreg:$0x4] =	wrdreg $0xC0  }
0x32: {  	_ =	task [dreg:s23], $0x5FFFF  }
0x33: {  	[dreg:$0x1] =	wrdreg $0xFFFFFFFF  }
0x34: {  	[dreg:$0x0] =	wrdreg $0x60  }
0x35: {  	[dreg:$0x2] =	wrdreg s25  }
0x36: {  	[dreg:$0x3] =	wrdreg $0x9  }
0x37: {  	_ =	task.clear_ibuf [dreg:s23], $0x4FFFF;
	_ =	strace $0x90000049  }
0x38: {  	s29 =	simm.s32 $0x9;
	_ =	strace $0x8000004B  }
0x39: {  	_ =	swait.ge [sflag:s29], $0x1  }
0x3a: {  	[sflag:s29] =	ssyncadd.s32 $0xFFFFFFFF  }
0x3b: {  	_ =	strace $0x9000004B  }
0x3c: {  	_ =	sfence  }
0x3d: {  	s30 =	sld [smem:$0x0];
	_ =	sdelay $0x2  }
0x3e: {  	s31 =	sshll.u32 s1, $0xD;
	s1 =	sshrl.u32 s1, $0x2  }
0x3f: {  	s4 =	sand.u32 $0x4000, s31;
	s1 =	sadd.s32 s1, s30  }
0x40: {  	s0 =	sor.u32 s4, s0;
	s1 =	sshll.u32 s1, $0x11  }
0x41: {  	s0 =	sor.u32 s1, s0  }
0x42: {  	s0 =	sadd.s32 $0x8F2B, s0  }
0x43: {  	[sflag:s0] =	ssyncadd.remote.s32 $0x1  }
0x44: {  	_ =	sfence.sel $0xFFFF  }
0x45: {  	[dreg:$0x0] =	wrdreg $0xFFFFFFFF;
	(pc) =	sbr.abs _section_cstart, $3  }
0x46: {  	[dreg:$0x1] =	wrdreg $0xFFFFFFFF  }
0x47: {  	_ =	task.clear_ibuf [dreg:s23], $0x2FFFF;
	_ =	strace $0x9FFFFFFF  }
0x48: {  	(tm) =	ssettm $0x7FFFFFFF  }
0x49: {  	_ =	shalt  }
tec
execute0_lowered:
.L_overlay_start_1:
0x0: {  	(tag) =	ssettag $0x1  }
0x1: {  	s1 =	rddreg [dreg:$0x0]  }
0x2: {  	s0 =	rddreg [dreg:$0x1];
	_ =	strace $0x8000004A  }
0x3: {  	s4 =	srdreg.scid;
	s6 =	simm.s32 $0x2;
	s12 =	simm.s32 $0x0  }
0x4: {  	p0 =	por $0x0, $0x0;
	s11 =	simm.s32 $0x0;
	s13 =	simm.s32 $0x0  }
.Ltmp0:
0x5: {  	s8 =	simm.s32 $0x0;
	s9 =	simm.s32 $0x0;
	(pc) =	sbr.rel .LBB1_1-.Ltmp0, $4  }
0x6: {  	s2 =	sadd.s32 $0x296400, s1;
	s3 =	sadd.s32 $0x3D6400, s1;
	s4 =	sshll.u32 s4, $0x4  }
0x7: {  	s1 =	stileid.u32;
	s5 =	sand.u32 $0x10, s4;
	s4 =	simm.s32 $0x1  }
0x8: {  	s7 =	simm.s32 $0x0;
	s5 =	sor.u32 s1, s5;
	[sflag:s4] =	ssyncpa.u1 $0x0  }
0x9: {  	[sflag:s6] =	ssyncpa.u1 $0x0;
	s6 =	simm.s32 $0x5000;
	s10 =	smov.u32 s5  }
.LBB1_5:
0xa: {  	s14 =	sadd.s32 $0x80, s8  }
0xb: {  	s11 =	sadd.s32 $0x80, s9;
	s15 =	smov.u32 s9;
	p2 =	sgt.s32 s14, $0x1FF  }
0xc: {  	s15 =	smov.u32 @p2 s11  }
0xd: {  	s17 =	smov.u32 s10;
	s11 =	sadd.s32 $0x20, s10;
	p3 =	sgt.s32 s15, $0x7F  }
0xe: {  	p1 =	slt.u32 s7, $0x2;
	s17 =	smov.u32 @p3 s11  }
0xf: {  	s7 =	sadd.s32 $0x1, s7;
	s14 =	simm.s32 @p2 $0x0;
	p2 =	sgt.s32 s17, $0x9F  }
0x10: {  	s17 =	smov.u32 @p2 s5;
	p2 =	sne.s32 s7, $0x16  }
.Ltmp1:
0x11: {  	s16 =	simm.s32 @!p1 $0x2;
	(pc) =	sbr.rel @!p2 .LBB1_6-.Ltmp1, $4  }
0x12: {  	s12 =	smov.u32 s8;
	_ =	swait.ge @!p1 [sflag:s16], $0x4000  }
0x13: {  	s13 =	smov.u32 s10;
	p0 =	por !p0, !p0;
	[sflag:s16] =	ssyncset.done @!p1 $0x0  }
0x14: {  	s8 =	smov.u32 s14;
	s15 =	simm.s32 @p3 $0x0;
	s11 =	smov.u32 s9  }
0x15: {  	[sflag:s16] =	ssyncadd.s32 @!p1 $0xFFFFC000;
	s9 =	smov.u32 s15;
	s10 =	smov.u32 s17  }
.LBB1_1:
0x16: {  	p1 =	sgt.u32 s7, $0x13  }
0x17: {  	s14 =	sxor.u32 @!p1 $0xFFFFFFFF, s7  }
0x18: {  	s15 =	sshll.u32 @!p1 s9, $0x9;
	s16 =	sshll.u32 @!p1 s8, $0x3;
	s17 =	sshll.u32 @!p1 s9, $0x7  }
0x19: {  	s18 =	sand.u32 @!p1 $0x78, s8;
	s15 =	sand.u32 @!p1 $0xF000, s15;
	s16 =	sand.u32 @!p1 $0xFC00, s16  }
0x1a: {  	s14 =	sshll.u32 @!p1 s14, $0xE;
	s15 =	sadd.s32 @!p1 s15, s16;
	s16 =	sand.u32 @!p1 $0x200, s17  }
0x1b: {  	s14 =	sand.u32 @!p1 $0x4000, s14;
	s15 =	sor.u32 @!p1 s16, s15;
	s16 =	sand.u32 @!p1 $0x180, s17  }
0x1c: {  	s17 =	sshll.u32 @!p1 s10, $0xD;
	s16 =	sor.u32 @!p1 s18, s16;
	s15 =	sshrl.u32 @!p1 s15, $0x3  }
0x1d: {  	s17 =	sadd.s32 @!p1 s2, s17;
	s18 =	sand.u32 @!p1 $0x7, s8;
	s16 =	sshrl.u32 @!p1 s16, $0x3  }
0x1e: {  	s15 =	sand.u32 @!p1 $0x1FC0, s15;
	s16 =	sadd.s32 @!p1 s16, s17;
	s17 =	sshll.u32 @!p1 s18, $0x12  }
0x1f: {  	s15 =	sadd.s32 @!p1 s15, s16;
	s16 =	sor.u32 @!p1 $0x400, s17;
	s17 =	simm.s32 @!p1 $0x1000  }
0x20: {  	[tilespmem:s14], [sflag:$0x1] =	stream.strided.gather @!p1 [hbm4b:s15+s16], $0x4000, s17, s16, $0x38;
	[tilespmem:$0x10100] =	vst v63  }
0x21: {  	p1 =	seq.s32 s7, $0x0  }
0x22: {  	p2 =	seq.s32 @!p1 s7, $0x15  }
0x23: {  	p1 =	por p1, p2  }
.Ltmp2:
0x24: {  	_ = 	snop;
	(pc) =	sbr.rel @p1 .LBB1_5-.Ltmp2, $1  }
0x25: {  	_ =	sdelay $0x3  }
0x26: {  	s14 =	simm.s32 $0x1  }
0x27: {  	_ =	swait.ge [sflag:s4], $0x4000;
	s14 =	simm.s32 @!p0 $0x0  }
0x28: {  	[sflag:s4] =	ssyncset.done $0x0;
	s15 =	sshll.u32 s14, $0xE  }
0x29: {  	[sflag:s4] =	ssyncadd.s32 $0xFFFFC000;
	s17 =	sor.u32 $0x40, s15  }
0x2a: {  	s14 =	smul.u32 $0x10200, s14;
	v0 =	vld [tilespmem:s17+$0x30]  }
0x2b: {  	v1 =	vld [tilespmem:s17+$0xFFFFFFD0]  }
0x2c: {  	s14 =	sshrl.u32 s14, $0x2;
	v5 =	vld [tilespmem:s17+$0xFFFFFFE0]  }
0x2d: {  	v6 =	vld [tilespmem:s17+$0xFFFFFFF0];
	s15 =	sor.u32 $0x8000, s14  }
0x2e: {  	s31 =	sand.u32 $0x1, s7;
	v4 =	vld [tilespmem:s17+$0x0];
	s16 =	sadd.s32 $0x0, s15  }
0x2f: {  	v3 =	vld [tilespmem:s17+$0x10];
	s14 =	smul.u32 $0x10200, s31;
	[tilespmem:s16+$0x3870 ss:$0x81] =	vst.msk $0xffff, v0  }
0x30: {  	v2 =	vld [tilespmem:s17+$0x20];
	[tilespmem:s16+$0x810 ss:$0x81] =	vst.msk $0xffff, v1  }
0x31: {  	s14 =	sshrl.u32 s14, $0x2;
	v0 =	vld [tilespmem:s17+$0xFFFFFFC0];
	[tilespmem:s16+$0x1020 ss:$0x81] =	vst.msk $0xffff, v5;
	s17 =	sadd.s32 $0x80, s17  }
0x32: {  	s18 =	simm.s32 $0x4;
	s19 =	simm.s32 $0x8;
	s14 =	sor.u32 $0x8000, s14;
	[tilespmem:s16+$0x1830 ss:$0x81] =	vst.msk $0xffff, v6;
	v1 =	vld [tilespmem:s17+$0x30]  }
.LBB1_3:
0x33: {  	p1 =	sne.s32 s19, $0x1FC;
	v5 =	vld [tilespmem:s17+$0xFFFFFFD0];
	[tilespmem:s16+$0x2040 ss:$0x81] =	vst.msk $0xffff, v4  }
0x34: {  	v6 =	vld [tilespmem:s17+$0xFFFFFFE0];
	[tilespmem:s16+$0x2850 ss:$0x81] =	vst.msk $0xffff, v3  }
0x35: {  	s20 =	sshra.s32 s18, $0x2;
	s18 =	smov.u32 s19;
	v7 =	vld [tilespmem:s17+$0xFFFFFFF0];
	[tilespmem:s16+$0x3060 ss:$0x81] =	vst.msk $0xffff, v2  }
.Ltmp3:
0x36: {  	v4 =	vld [tilespmem:s17+$0x0];
	[tilespmem:s16+$0x0 ss:$0x81] =	vst.msk $0xffff, v0;
	s16 =	sadd.s32 s20, s15;
	(pc) =	sbr.rel @p1 .LBB1_3-.Ltmp3, $4  }
0x37: {  	v3 =	vld [tilespmem:s17+$0x10];
	[tilespmem:s16+$0x3870 ss:$0x81] =	vst.msk $0xffff, v1  }
0x38: {  	[tilespmem:s16+$0x810 ss:$0x81] =	vst.msk $0xffff, v5;
	v2 =	vld [tilespmem:s17+$0x20]  }
0x39: {  	v0 =	vld [tilespmem:s17+$0xFFFFFFC0];
	[tilespmem:s16+$0x1020 ss:$0x81] =	vst.msk $0xffff, v6;
	s17 =	sadd.s32 $0x80, s17  }
0x3a: {  	s19 =	sadd.s32 $0x4, s19;
	v1 =	vld [tilespmem:s17+$0x30];
	[tilespmem:s16+$0x1830 ss:$0x81] =	vst.msk $0xffff, v7  }
0x3b: {  	s13 =	sshll.u32 s13, $0x7;
	s19 =	sshll.u32 s11, $0x3;
	v5 =	vld [tilespmem:s17+$0xFFFFFFD0];
	[tilespmem:s16+$0x2040 ss:$0x81] =	vst.msk $0xffff, v4  }
0x3c: {  	v58 =	vld [tilespmem:s17+$0xFFFFFFE0];
	s20 =	sand.u32 $0xFFFFFC00, s13;
	s19 =	sand.u32 $0xFFFFFC00, s19;
	[tilespmem:s16+$0x2850 ss:$0x81] =	vst.msk $0xffff, v3  }
0x3d: {  	s18 =	sshra.s32 s18, $0x2;
	v59 =	vld [tilespmem:s17+$0xFFFFFFF0];
	s13 =	sand.u32 $0x380, s13;
	s19 =	sadd.s32 s20, s19;
	[tilespmem:s16+$0x3060 ss:$0x81] =	vst.msk $0xffff, v2  }
0x3e: {  	v60 =	vld [tilespmem:s17+$0x0];
	s15 =	sadd.s32 s18, s15;
	s13 =	sor.u32 s13, s19;
	[tilespmem:s16+$0x0 ss:$0x81] =	vst.msk $0xffff, v0  }
0x3f: {  	v61 =	vld [tilespmem:s17+$0x10];
	s13 =	sshrl.u32 s13, $0x7;
	[tilespmem:s15+$0x3870 ss:$0x81] =	vst.msk $0xffff, v1  }
0x40: {  	v62 =	vld [tilespmem:s17+$0x20];
	s29 =	smulhi.u32 $0x199999A, s13;
	[tilespmem:s15+$0x810 ss:$0x81] =	vst.msk $0xffff, v5  }
0x41: {  	v63 =	vld [tilespmem:s17+$0xFFFFFFC0];
	s12 =	smul.u32 $0xA00, s12;
	[tilespmem:s15+$0x1020 ss:$0x81] =	vst.msk $0xffff, v58  }
0x42: {  	[tilespmem:s15+$0x1830 ss:$0x81] =	vst.msk $0xffff, v59;
	s16 =	smul.u32 $0xA0, s29  }
.Ltmp4:
0x43: {  	s30 =	sshrl.u32 s11, $0x3;
	s31 =	sand.u32 $0x7, s11;
	[tilespmem:s15+$0x2040 ss:$0x81] =	vst.msk $0xffff, v60;
	(pc) =	sbr.rel .LBB1_5-.Ltmp4, $4  }
0x44: {  	s12 =	sadd.s32 s3, s12;
	[tilespmem:s15+$0x2850 ss:$0x81] =	vst.msk $0xffff, v61;
	s13 =	ssub.s32 s13, s16;
	s16 =	sand.u32 $0xF, s30  }
0x45: {  	s11 =	sshll.u32 s31, $0x12;
	[tilespmem:s15+$0x3060 ss:$0x81] =	vst.msk $0xffff, v62;
	s13 =	sshll.u32 s13, $0x4;
	s12 =	sadd.s32 s16, s12  }
0x46: {  	s11 =	sor.u32 $0x80, s11;
	[tilespmem:s15+$0x0 ss:$0x81] =	vst.msk $0xffff, v63;
	s12 =	sadd.s32 s13, s12  }
0x47: {  	[hbm4b:s12+s11] =	stream.strided.scatter [tilespmem:s14], [sflag:$0x2], $0x4000, s6, s11, $0x20;
	[tilespmem:$0x10100] =	vst v63  }
.LBB1_6:
0x48: {  	_ =	sfence.sel $0x180000  }
0x49: {  	s2 =	simm.s32 $0x1;
	[bflag:$0x0] =	sbarrier.arrive $0xFFFF  }
0x4a: {  	s31 =	simm.s32 $0x2;
	[sflag:s2] =	ssyncpa.u1 $0x1  }
0x4b: {  	[sflag:s31] =	ssyncpa.u1 $0x1  }
0x4c: {  	p0 =	sne.s32 s1, $0x0;
	_ =	strace $0x9000004A  }
0x4d: {  	s0 =	sadd.s32 @!p0 $0x100000, s0;
	[bflag:$0x2] =	sbarrier.arrive $0xFFFF  }
0x4e: {  	[sflag:s0] =	ssyncadd.tile.s32 @!p0 $0x1;
	_ =	shalt  }
.Lfunc_end1:
_tile_overlayer_lowered:
.L_overlay_start_2:
0x4f: {  	(tag) =	ssettag $0x2  }
0x50: {  	s0 =	rddreg [dreg:$0x0];
	s2 =	stileid.u32  }
0x51: {  	s1 =	rddreg [dreg:$0x1];
	p0 =	sne.s32 s2, $0x0  }
0x52: {  	s3 =	rddreg [dreg:$0x2];
	[bflag:$0x3] =	sbarrier.arrive $0xFFFF;
	s2 =	simm.s32 @!p0 $0x1C01  }
0x53: {  	[timem:s3], [sflag:s2] =	dma.local @!p0 [hbm:s0], s1  }
0x54: {  	s0 =	simm.s32 @!p0 $0x1  }
0x55: {  	_ =	swait.ge @!p0 [sflag:s0], s1  }
0x56: {  	s1 =	ssub.s32 @!p0 $0x0, s1;
	[sflag:s0] =	ssyncset.done @!p0 $0x0  }
0x57: {  	[sflag:s0] =	ssyncadd.s32 @!p0 s1  }
0x58: {  	[bflag:$0x3] =	sbarrier.arrive $0xFFFF  }
0x59: {  	_ =	shalt  }

</sc_bundles>
